<compile_context>
chip_gen: v7x
topology: tpu7x:2x2x1
jax: 0.10.2.dev20260603
libtpu: 0.0.44.dev20260713+nightly
codegen_flags: <defaults>
</compile_context>

<pallas_src>
import functools

import jax
import jax.numpy as jnp
from jax import lax
from jax.experimental import pallas as pl
from jax.experimental.pallas import tpu as pltpu
from jax.experimental.pallas import tpu_sc as plsc

NC = 2
NS = 16
NW = NC * NS
L = 16
D = 256
P = 25
PPAD = 32
KR = 8
KH = KR * NS


def _body(b_per_w, n_chunk, ch,
          patterns_hbm, scale_hbm, shift_hbm, idx_hbm,
          out_hbm, rep_hbm,
          pat_v, sc_v, sh_v, tab_v, idx_v, rows0, rows1,
          gi, g0, g1, p0, p1):
    cid = lax.axis_index("c")
    sid = lax.axis_index("s")
    w = sid * NC + cid
    base = w * b_per_w

    idx_cp = pltpu.make_async_copy(
        idx_hbm.at[pl.ds(base, b_per_w)], idx_v, gi)
    idx_cp.start()
    pltpu.sync_copy(patterns_hbm, pat_v)
    pltpu.sync_copy(scale_hbm, sc_v)
    pltpu.sync_copy(shift_hbm, sh_v)

    def build_row(p, _):
        pv = jnp.full((L,), p, jnp.int32)
        scale = plsc.load_gather(sc_v, [pv])
        shf = plsc.load_gather(sh_v, [pv])
        s = (shf * 10.0).astype(jnp.int32)
        for c in range(D // L):
            col = lax.iota(jnp.int32, L) + (c * L)
            src = lax.rem(col - s, D)
            src = src + jnp.where(src < 0, D, 0)
            vals = plsc.load_gather(pat_v, [pv, src])
            tab_v[p, pl.ds(c * L, L)] = vals * scale
        return 0

    lax.fori_loop(0, P, build_row, 0)

    r0 = (cid * KH + KR * sid) * PPAD
    for k in range(KR):
        pltpu.sync_copy(tab_v, rep_hbm.at[pl.ds(r0 + k * PPAD, PPAD)])

    idx_cp.wait()

    def spread(j, _):
        offs = (cid * KH + ((lax.iota(jnp.int32, L) + j * L) % KH)) * PPAD
        idx_v[pl.ds(j * L, L)] = idx_v[pl.ds(j * L, L)] + offs
        return 0

    lax.fori_loop(0, b_per_w // L, spread, 0)
    plsc.subcore_barrier()

    NB = 2
    rows = (rows0, rows1)
    gs = (g0, g1)
    ps = (p0, p1)

    def gath(c, b):
        return pltpu.make_async_copy(
            rep_hbm.at[idx_v.at[pl.ds(c * ch, ch)]], rows[b], gs[b])

    def put(c, b):
        return pltpu.make_async_copy(
            rows[b], out_hbm.at[pl.ds(base + c * ch, ch)], ps[b])

    for b in range(NB):
        gath(b, b).start()

    def body(i, _):
        c0 = NB * i
        for b in range(NB):
            gath(c0 + b, b).wait()
            put(c0 + b, b).start()
        for b in range(NB):
            put(c0 + b, b).wait()

            @pl.when(c0 + b + NB < n_chunk)
            def _():
                gath(c0 + b + NB, b).start()
        return 0

    lax.fori_loop(0, n_chunk // NB, body, 0)


def kernel(indices, patterns, amplitude_scale, frequency_shift):
    bsz, seq = indices.shape
    n = bsz * seq
    b_per_w = n // NW
    ch = 200
    n_chunk = b_per_w // ch

    mesh = plsc.VectorSubcoreMesh(
        core_axis_name="c", subcore_axis_name="s",
        num_cores=NC, num_subcores=NS)

    scale_p = jnp.zeros((PPAD,), jnp.float32).at[:P].set(amplitude_scale)
    shift_p = jnp.zeros((PPAD,), jnp.float32).at[:P].set(frequency_shift)

    run = pl.kernel(
        functools.partial(_body, b_per_w, n_chunk, ch),
        out_type=(
            jax.ShapeDtypeStruct((n, D), jnp.float32),
            jax.ShapeDtypeStruct((NC * KH * PPAD, D), jnp.float32),
        ),
        mesh=mesh,
        compiler_params=pltpu.CompilerParams(needs_layout_passes=False),
        scratch_types=[
            pltpu.VMEM((P, D), jnp.float32),
            pltpu.VMEM((PPAD,), jnp.float32),
            pltpu.VMEM((PPAD,), jnp.float32),
            pltpu.VMEM((PPAD, D), jnp.float32),
            pltpu.VMEM((b_per_w,), jnp.int32),
            pltpu.VMEM((ch, D), jnp.float32),
            pltpu.VMEM((ch, D), jnp.float32),
            pltpu.SemaphoreType.DMA,
            pltpu.SemaphoreType.DMA,
            pltpu.SemaphoreType.DMA,
            pltpu.SemaphoreType.DMA,
            pltpu.SemaphoreType.DMA,
        ],
    )
    out, _ = run(patterns, scale_p, shift_p, indices.reshape(n))
    return out.reshape(bsz, seq, D)

# --- scband reference (transcript-rebuilt; emitter-appended) ---
"""Pipeline reference for scband-frequency-pattern-encoder-90314572300895 (READ-ONLY COPY).

The authoritative reference and input builder live on the scoring server;
editing this copy changes nothing except your own understanding.
"""

import jax, jax.numpy as jnp
import numpy as np

IPA_ACOUSTICS = {'i': (270, 2290), 'ɪ': (390, 1990), 'e': (530, 1840), 'ɛ': (660, 1720), 'æ': (860, 1720), 'ɑ': (730, 1090), 'ɔ': (570, 840), 'o': (450, 880), 'ʊ': (440, 1020), 'u': (300, 870), 'ə': (500, 1500), 'p': (100, 500), 'b': (100, 500), 't': (4000, 8000), 'd': (4000, 8000), 'k': (2000, 4000), 'g': (2000, 4000), 'f': (6000, 12000), 's': (8000, 12000), 'ʃ': (3000, 6000), 'h': (500, 2000), 'l': (200, 400), 'r': (300, 600), 'm': (200, 300), 'n': (200, 300)}

D_MODEL = 256
SAMPLE_RATE = 1000
DURATION_MS = 100
N_PHONEMES = len(IPA_ACOUSTICS)


def _sign_sine(phase):
    n = phase / np.pi - 1.0
    return np.where((n >= -1.0) & (n <= -0.5), -1.0 + 2.0 * (n + 1.0),
           np.where((n > -0.5) & (n <= 0.0), 2.0 * (n + 0.5),
           np.where((n > 0.0) & (n <= 0.5), 1.0 - 2.0 * n,
                    -2.0 * (n - 0.5))))


def _build_patterns():
    samples = int(DURATION_MS * SAMPLE_RATE / 1000)
    t = np.arange(samples, dtype=np.float64) / SAMPLE_RATE
    pats = []
    for f1, f2 in IPA_ACOUSTICS.values():
        phase1 = (2.0 * np.pi * f1 * t) % (2.0 * np.pi)
        phase2 = (2.0 * np.pi * f2 * t) % (2.0 * np.pi)
        pat = np.sign(_sign_sine(phase1) + 0.5 * _sign_sine(phase2))
        if samples < D_MODEL:
            repeats = D_MODEL // samples + 1
            pat = np.tile(pat, repeats)[:D_MODEL]
        else:
            pat = pat[:D_MODEL]
        pats.append(pat)
    return np.stack(pats).astype(np.float32)


def setup_inputs(seed: int = 0) -> dict:
    key = jax.random.key(seed)
    k1, = jax.random.split(key, 1)
    indices = jax.random.randint(k1, (1024, 200), 0, N_PHONEMES, dtype=jnp.int32)
    patterns = jnp.asarray(_build_patterns())  # [25, 256] precomputed buffer
    amplitude_scale = jnp.ones((N_PHONEMES,), dtype=jnp.float32)
    frequency_shift = jnp.zeros((N_PHONEMES,), dtype=jnp.float32)
    return {"indices": indices, "patterns": patterns, "amplitude_scale": amplitude_scale, "frequency_shift": frequency_shift}


def reference(indices, patterns, amplitude_scale, frequency_shift):
    # Embedding-style gather of precomputed spike patterns per phoneme index
    base = jnp.take(patterns, indices, axis=0)                 # [B, L, d_model]
    scale = jnp.take(amplitude_scale, indices)                 # [B, L]
    scaled = base * scale[..., None]
    # shift = int(frequency_shift[idx].item() * 10) in torch (trunc toward zero)
    shifts = (jnp.take(frequency_shift, indices) * 10.0).astype(jnp.int32)  # [B, L]
    d = patterns.shape[1]
    ar = jnp.arange(d)
    gidx = (ar[None, None, :] - shifts[..., None]) % d          # torch.roll semantics
    out = jnp.take_along_axis(scaled, gidx, axis=-1)
    return out

if __name__ == "__main__":
    import jax
    _d = setup_inputs()
    print(jax.jit(kernel)(*tuple(_d.values())))

</pallas_src>

<mosaic_0001>
#map = affine_map<(d0, d1) -> (0, 0)>
#map1 = affine_map<(d0, d1) -> (0)>
module attributes {stable_mosaic.version = 14 : i64} {
  func.func @_body(%arg0: i32, %arg1: i32, %arg2: memref<25x256xf32, #tpu.memory_space<hbm>>, %arg3: memref<32xf32, #tpu.memory_space<hbm>>, %arg4: memref<32xf32, #tpu.memory_space<hbm>>, %arg5: memref<204800xi32, #tpu.memory_space<hbm>>, %arg6: memref<204800x256xf32, #tpu.memory_space<hbm>>, %arg7: memref<8192x256xf32, #tpu.memory_space<hbm>>, %arg8: memref<25x256xf32, #tpu.memory_space<vmem>>, %arg9: memref<32xf32, #tpu.memory_space<vmem>>, %arg10: memref<32xf32, #tpu.memory_space<vmem>>, %arg11: memref<32x256xf32, #tpu.memory_space<vmem>>, %arg12: memref<6400xi32, #tpu.memory_space<vmem>>, %arg13: memref<200x256xf32, #tpu.memory_space<vmem>>, %arg14: memref<200x256xf32, #tpu.memory_space<vmem>>, %arg15: memref<!tpu.dma_semaphore, #tpu.memory_space<semaphore_mem>>, %arg16: memref<!tpu.dma_semaphore, #tpu.memory_space<semaphore_mem>>, %arg17: memref<!tpu.dma_semaphore, #tpu.memory_space<semaphore_mem>>, %arg18: memref<!tpu.dma_semaphore, #tpu.memory_space<semaphore_mem>>, %arg19: memref<!tpu.dma_semaphore, #tpu.memory_space<semaphore_mem>>) attributes {dimension_semantics = [#tpu.dimension_semantics<core_parallel>, #tpu.dimension_semantics<subcore_parallel>], iteration_bounds = array<i64: 2, 16>, scalar_prefetch = 0 : i64, scratch_operands = 12 : i64, tpu.core_type = #tpu.core_type<sc_vector_subcore>, window_params = [{transform_indices = #map}, {transform_indices = #map1}, {transform_indices = #map1}, {transform_indices = #map1}, {transform_indices = #map}, {transform_indices = #map}]} {
    %mul3A = arith.constant 2 : i32
    %mul3A_0 = arith.muli %arg1, %mul3A : i32
    %add3A = arith.addi %mul3A_0, %arg0 : i32
    %mul3A_1 = arith.constant 6400 : i32
    %mul3A_2 = arith.muli %add3A, %mul3A_1 : i32
    %dma_start3A = tpu.memref_slice %arg5[%mul3A_2] : memref<204800xi32, #tpu.memory_space<hbm>> -> memref<6400xi32, #tpu.memory_space<hbm>>
    %dma_start3A_3 = tpu.memref_slice %arg5[%mul3A_2] : memref<204800xi32, #tpu.memory_space<hbm>> -> memref<6400xi32, #tpu.memory_space<hbm>>
    tpu.enqueue_dma source(%dma_start3A_3 : memref<6400xi32, #tpu.memory_space<hbm>>) target(%arg12 : memref<6400xi32, #tpu.memory_space<vmem>>) target_semaphore(%arg15 : memref<!tpu.dma_semaphore, #tpu.memory_space<semaphore_mem>>)
    "tpu.region"() ({
      %run_scoped3A = tpu.sem_alloc : memref<!tpu.dma_semaphore, #tpu.memory_space<semaphore_mem>>
      tpu.enqueue_dma source(%arg2 : memref<25x256xf32, #tpu.memory_space<hbm>>) target(%arg8 : memref<25x256xf32, #tpu.memory_space<vmem>>) target_semaphore(%run_scoped3A : memref<!tpu.dma_semaphore, #tpu.memory_space<semaphore_mem>>)
      tpu.wait_dma2 semaphore(%run_scoped3A : memref<!tpu.dma_semaphore, #tpu.memory_space<semaphore_mem>>) src(%arg2 : memref<25x256xf32, #tpu.memory_space<hbm>>) dst(%arg8 : memref<25x256xf32, #tpu.memory_space<vmem>>)
      tpu.yield
    }) : () -> ()
    "tpu.region"() ({
      %run_scoped3A = tpu.sem_alloc : memref<!tpu.dma_semaphore, #tpu.memory_space<semaphore_mem>>
      tpu.enqueue_dma source(%arg3 : memref<32xf32, #tpu.memory_space<hbm>>) target(%arg9 : memref<32xf32, #tpu.memory_space<vmem>>) target_semaphore(%run_scoped3A : memref<!tpu.dma_semaphore, #tpu.memory_space<semaphore_mem>>)
      tpu.wait_dma2 semaphore(%run_scoped3A : memref<!tpu.dma_semaphore, #tpu.memory_space<semaphore_mem>>) src(%arg3 : memref<32xf32, #tpu.memory_space<hbm>>) dst(%arg9 : memref<32xf32, #tpu.memory_space<vmem>>)
      tpu.yield
    }) : () -> ()
    "tpu.region"() ({
      %run_scoped3A = tpu.sem_alloc : memref<!tpu.dma_semaphore, #tpu.memory_space<semaphore_mem>>
      tpu.enqueue_dma source(%arg4 : memref<32xf32, #tpu.memory_space<hbm>>) target(%arg10 : memref<32xf32, #tpu.memory_space<vmem>>) target_semaphore(%run_scoped3A : memref<!tpu.dma_semaphore, #tpu.memory_space<semaphore_mem>>)
      tpu.wait_dma2 semaphore(%run_scoped3A : memref<!tpu.dma_semaphore, #tpu.memory_space<semaphore_mem>>) src(%arg4 : memref<32xf32, #tpu.memory_space<hbm>>) dst(%arg10 : memref<32xf32, #tpu.memory_space<vmem>>)
      tpu.yield
    }) : () -> ()
    %scan3A = arith.constant 0 : i32
    %scan3A_4 = arith.constant 0 : i32
    %scan3A_5 = arith.constant 25 : i32
    %scan3A_6 = arith.addi %scan3A_4, %scan3A_5 : i32
    %scan3A_7 = arith.constant 1 : i32
    %scan3A_8 = scf.for %scan3A_58 = %scan3A_4 to %scan3A_6 step %scan3A_7 iter_args(%scan3A_59 = %scan3A) -> (i32)  : i32 {
      %broadcast_in_dim3A = vector.broadcast %scan3A_58 : i32 to vector<16xi32>
      %gather3A = tpu.vector_load_idx %arg9[%broadcast_in_dim3A] : memref<32xf32, #tpu.memory_space<vmem>>[vector<16xi32>], vector<16xf32>,
      %gather3A_60 = tpu.vector_load_idx %arg10[%broadcast_in_dim3A] : memref<32xf32, #tpu.memory_space<vmem>>[vector<16xi32>], vector<16xf32>,
      %mul3A_61 = arith.constant 1.000000e+01 : f32
      %mul3A_62 = vector.broadcast %mul3A_61 : f32 to vector<16xf32>
      %mul3A_63 = arith.mulf %gather3A_60, %mul3A_62 : vector<16xf32>
      %convert_element_type3A = arith.fptosi %mul3A_63 : vector<16xf32> to vector<16xi32>
      %iota3A = tpu.iota {dimensions = array<i32: 0>} : vector<16xi32>
      %add3A_64 = arith.constant 0 : i32
      %add3A_65 = vector.broadcast %add3A_64 : i32 to vector<16xi32>
      %add3A_66 = arith.addi %iota3A, %add3A_65 : vector<16xi32>
      %sub3A = arith.subi %add3A_66, %convert_element_type3A : vector<16xi32>
      %rem3A = arith.constant 256 : i32
      %rem3A_67 = vector.broadcast %rem3A : i32 to vector<16xi32>
      %rem3A_68 = arith.remsi %sub3A, %rem3A_67 : vector<16xi32>
      %lt3A = arith.constant 0 : i32
      %lt3A_69 = vector.broadcast %lt3A : i32 to vector<16xi32>
      %lt3A_70 = arith.cmpi slt, %rem3A_68, %lt3A_69 : vector<16xi32>
      %jit3A = arith.constant 256 : i32
      %jit3A_71 = arith.constant 0 : i32
      %broadcast_in_dim3A_72 = vector.broadcast %jit3A : i32 to vector<16xi32>
      %broadcast_in_dim3A_73 = vector.broadcast %jit3A_71 : i32 to vector<16xi32>
      %select_n3A = arith.select %lt3A_70, %broadcast_in_dim3A_72, %broadcast_in_dim3A_73 : vector<16xi1>, vector<16xi32>
      %add3A_74 = arith.addi %rem3A_68, %select_n3A : vector<16xi32>
      %gather3A_75 = tpu.vector_load_idx %arg8[%broadcast_in_dim3A, %add3A_74] : memref<25x256xf32, #tpu.memory_space<vmem>>[vector<16xi32>, vector<16xi32>], vector<16xf32>,
      %mul3A_76 = arith.mulf %gather3A_75, %gather3A : vector<16xf32>
      %swap3A = arith.index_cast %scan3A_58 : i32 to index
      %swap3A_77 = arith.constant 0 : index
      %swap3A_78 = tpu.vector_load %arg11[%swap3A, %swap3A_77] {strides = array<i32>} : memref<32x256xf32, #tpu.memory_space<vmem>>, vector<16xf32>,
      tpu.vector_store %arg11[%swap3A, %swap3A_77], %mul3A_76 {strides = array<i32>} : memref<32x256xf32, #tpu.memory_space<vmem>>, vector<16xf32>,
      %iota3A_79 = tpu.iota {dimensions = array<i32: 0>} : vector<16xi32>
      %add3A_80 = arith.constant 16 : i32
      %add3A_81 = vector.broadcast %add3A_80 : i32 to vector<16xi32>
      %add3A_82 = arith.addi %iota3A_79, %add3A_81 : vector<16xi32>
      %sub3A_83 = arith.subi %add3A_82, %convert_element_type3A : vector<16xi32>
      %rem3A_84 = arith.constant 256 : i32
      %rem3A_85 = vector.broadcast %rem3A_84 : i32 to vector<16xi32>
      %rem3A_86 = arith.remsi %sub3A_83, %rem3A_85 : vector<16xi32>
      %lt3A_87 = arith.constant 0 : i32
      %lt3A_88 = vector.broadcast %lt3A_87 : i32 to vector<16xi32>
      %lt3A_89 = arith.cmpi slt, %rem3A_86, %lt3A_88 : vector<16xi32>
      %jit3A_90 = arith.constant 256 : i32
      %jit3A_91 = arith.constant 0 : i32
      %broadcast_in_dim3A_92 = vector.broadcast %jit3A_90 : i32 to vector<16xi32>
      %broadcast_in_dim3A_93 = vector.broadcast %jit3A_91 : i32 to vector<16xi32>
      %select_n3A_94 = arith.select %lt3A_89, %broadcast_in_dim3A_92, %broadcast_in_dim3A_93 : vector<16xi1>, vector<16xi32>
      %add3A_95 = arith.addi %rem3A_86, %select_n3A_94 : vector<16xi32>
      %gather3A_96 = tpu.vector_load_idx %arg8[%broadcast_in_dim3A, %add3A_95] : memref<25x256xf32, #tpu.memory_space<vmem>>[vector<16xi32>, vector<16xi32>], vector<16xf32>,
      %mul3A_97 = arith.mulf %gather3A_96, %gather3A : vector<16xf32>
      %swap3A_98 = arith.index_cast %scan3A_58 : i32 to index
      %swap3A_99 = arith.constant 16 : index
      %swap3A_100 = tpu.vector_load %arg11[%swap3A_98, %swap3A_99] {strides = array<i32>} : memref<32x256xf32, #tpu.memory_space<vmem>>, vector<16xf32>,
      tpu.vector_store %arg11[%swap3A_98, %swap3A_99], %mul3A_97 {strides = array<i32>} : memref<32x256xf32, #tpu.memory_space<vmem>>, vector<16xf32>,
      %iota3A_101 = tpu.iota {dimensions = array<i32: 0>} : vector<16xi32>
      %add3A_102 = arith.constant 32 : i32
      %add3A_103 = vector.broadcast %add3A_102 : i32 to vector<16xi32>
      %add3A_104 = arith.addi %iota3A_101, %add3A_103 : vector<16xi32>
      %sub3A_105 = arith.subi %add3A_104, %convert_element_type3A : vector<16xi32>
      %rem3A_106 = arith.constant 256 : i32
      %rem3A_107 = vector.broadcast %rem3A_106 : i32 to vector<16xi32>
      %rem3A_108 = arith.remsi %sub3A_105, %rem3A_107 : vector<16xi32>
      %lt3A_109 = arith.constant 0 : i32
      %lt3A_110 = vector.broadcast %lt3A_109 : i32 to vector<16xi32>
      %lt3A_111 = arith.cmpi slt, %rem3A_108, %lt3A_110 : vector<16xi32>
      %jit3A_112 = arith.constant 256 : i32
      %jit3A_113 = arith.constant 0 : i32
      %broadcast_in_dim3A_114 = vector.broadcast %jit3A_112 : i32 to vector<16xi32>
      %broadcast_in_dim3A_115 = vector.broadcast %jit3A_113 : i32 to vector<16xi32>
      %select_n3A_116 = arith.select %lt3A_111, %broadcast_in_dim3A_114, %broadcast_in_dim3A_115 : vector<16xi1>, vector<16xi32>
      %add3A_117 = arith.addi %rem3A_108, %select_n3A_116 : vector<16xi32>
      %gather3A_118 = tpu.vector_load_idx %arg8[%broadcast_in_dim3A, %add3A_117] : memref<25x256xf32, #tpu.memory_space<vmem>>[vector<16xi32>, vector<16xi32>], vector<16xf32>,
      %mul3A_119 = arith.mulf %gather3A_118, %gather3A : vector<16xf32>
      %swap3A_120 = arith.index_cast %scan3A_58 : i32 to index
      %swap3A_121 = arith.constant 32 : index
      %swap3A_122 = tpu.vector_load %arg11[%swap3A_120, %swap3A_121] {strides = array<i32>} : memref<32x256xf32, #tpu.memory_space<vmem>>, vector<16xf32>,
      tpu.vector_store %arg11[%swap3A_120, %swap3A_121], %mul3A_119 {strides = array<i32>} : memref<32x256xf32, #tpu.memory_space<vmem>>, vector<16xf32>,
      %iota3A_123 = tpu.iota {dimensions = array<i32: 0>} : vector<16xi32>
      %add3A_124 = arith.constant 48 : i32
      %add3A_125 = vector.broadcast %add3A_124 : i32 to vector<16xi32>
      %add3A_126 = arith.addi %iota3A_123, %add3A_125 : vector<16xi32>
      %sub3A_127 = arith.subi %add3A_126, %convert_element_type3A : vector<16xi32>
      %rem3A_128 = arith.constant 256 : i32
      %rem3A_129 = vector.broadcast %rem3A_128 : i32 to vector<16xi32>
      %rem3A_130 = arith.remsi %sub3A_127, %rem3A_129 : vector<16xi32>
      %lt3A_131 = arith.constant 0 : i32
      %lt3A_132 = vector.broadcast %lt3A_131 : i32 to vector<16xi32>
      %lt3A_133 = arith.cmpi slt, %rem3A_130, %lt3A_132 : vector<16xi32>
      %jit3A_134 = arith.constant 256 : i32
      %jit3A_135 = arith.constant 0 : i32
      %broadcast_in_dim3A_136 = vector.broadcast %jit3A_134 : i32 to vector<16xi32>
      %broadcast_in_dim3A_137 = vector.broadcast %jit3A_135 : i32 to vector<16xi32>
      %select_n3A_138 = arith.select %lt3A_133, %broadcast_in_dim3A_136, %broadcast_in_dim3A_137 : vector<16xi1>, vector<16xi32>
      %add3A_139 = arith.addi %rem3A_130, %select_n3A_138 : vector<16xi32>
      %gather3A_140 = tpu.vector_load_idx %arg8[%broadcast_in_dim3A, %add3A_139] : memref<25x256xf32, #tpu.memory_space<vmem>>[vector<16xi32>, vector<16xi32>], vector<16xf32>,
      %mul3A_141 = arith.mulf %gather3A_140, %gather3A : vector<16xf32>
      %swap3A_142 = arith.index_cast %scan3A_58 : i32 to index
      %swap3A_143 = arith.constant 48 : index
      %swap3A_144 = tpu.vector_load %arg11[%swap3A_142, %swap3A_143] {strides = array<i32>} : memref<32x256xf32, #tpu.memory_space<vmem>>, vector<16xf32>,
      tpu.vector_store %arg11[%swap3A_142, %swap3A_143], %mul3A_141 {strides = array<i32>} : memref<32x256xf32, #tpu.memory_space<vmem>>, vector<16xf32>,
      %iota3A_145 = tpu.iota {dimensions = array<i32: 0>} : vector<16xi32>
      %add3A_146 = arith.constant 64 : i32
      %add3A_147 = vector.broadcast %add3A_146 : i32 to vector<16xi32>
      %add3A_148 = arith.addi %iota3A_145, %add3A_147 : vector<16xi32>
      %sub3A_149 = arith.subi %add3A_148, %convert_element_type3A : vector<16xi32>
      %rem3A_150 = arith.constant 256 : i32
      %rem3A_151 = vector.broadcast %rem3A_150 : i32 to vector<16xi32>
      %rem3A_152 = arith.remsi %sub3A_149, %rem3A_151 : vector<16xi32>
      %lt3A_153 = arith.constant 0 : i32
      %lt3A_154 = vector.broadcast %lt3A_153 : i32 to vector<16xi32>
      %lt3A_155 = arith.cmpi slt, %rem3A_152, %lt3A_154 : vector<16xi32>
      %jit3A_156 = arith.constant 256 : i32
      %jit3A_157 = arith.constant 0 : i32
      %broadcast_in_dim3A_158 = vector.broadcast %jit3A_156 : i32 to vector<16xi32>
      %broadcast_in_dim3A_159 = vector.broadcast %jit3A_157 : i32 to vector<16xi32>
      %select_n3A_160 = arith.select %lt3A_155, %broadcast_in_dim3A_158, %broadcast_in_dim3A_159 : vector<16xi1>, vector<16xi32>
      %add3A_161 = arith.addi %rem3A_152, %select_n3A_160 : vector<16xi32>
      %gather3A_162 = tpu.vector_load_idx %arg8[%broadcast_in_dim3A, %add3A_161] : memref<25x256xf32, #tpu.memory_space<vmem>>[vector<16xi32>, vector<16xi32>], vector<16xf32>,
      %mul3A_163 = arith.mulf %gather3A_162, %gather3A : vector<16xf32>
      %swap3A_164 = arith.index_cast %scan3A_58 : i32 to index
      %swap3A_165 = arith.constant 64 : index
      %swap3A_166 = tpu.vector_load %arg11[%swap3A_164, %swap3A_165] {strides = array<i32>} : memref<32x256xf32, #tpu.memory_space<vmem>>, vector<16xf32>,
      tpu.vector_store %arg11[%swap3A_164, %swap3A_165], %mul3A_163 {strides = array<i32>} : memref<32x256xf32, #tpu.memory_space<vmem>>, vector<16xf32>,
      %iota3A_167 = tpu.iota {dimensions = array<i32: 0>} : vector<16xi32>
      %add3A_168 = arith.constant 80 : i32
      %add3A_169 = vector.broadcast %add3A_168 : i32 to vector<16xi32>
      %add3A_170 = arith.addi %iota3A_167, %add3A_169 : vector<16xi32>
      %sub3A_171 = arith.subi %add3A_170, %convert_element_type3A : vector<16xi32>
      %rem3A_172 = arith.constant 256 : i32
      %rem3A_173 = vector.broadcast %rem3A_172 : i32 to vector<16xi32>
      %rem3A_174 = arith.remsi %sub3A_171, %rem3A_173 : vector<16xi32>
      %lt3A_175 = arith.constant 0 : i32
      %lt3A_176 = vector.broadcast %lt3A_175 : i32 to vector<16xi32>
      %lt3A_177 = arith.cmpi slt, %rem3A_174, %lt3A_176 : vector<16xi32>
      %jit3A_178 = arith.constant 256 : i32
      %jit3A_179 = arith.constant 0 : i32
      %broadcast_in_dim3A_180 = vector.broadcast %jit3A_178 : i32 to vector<16xi32>
      %broadcast_in_dim3A_181 = vector.broadcast %jit3A_179 : i32 to vector<16xi32>
      %select_n3A_182 = arith.select %lt3A_177, %broadcast_in_dim3A_180, %broadcast_in_dim3A_181 : vector<16xi1>, vector<16xi32>
      %add3A_183 = arith.addi %rem3A_174, %select_n3A_182 : vector<16xi32>
      %gather3A_184 = tpu.vector_load_idx %arg8[%broadcast_in_dim3A, %add3A_183] : memref<25x256xf32, #tpu.memory_space<vmem>>[vector<16xi32>, vector<16xi32>], vector<16xf32>,
      %mul3A_185 = arith.mulf %gather3A_184, %gather3A : vector<16xf32>
      %swap3A_186 = arith.index_cast %scan3A_58 : i32 to index
      %swap3A_187 = arith.constant 80 : index
      %swap3A_188 = tpu.vector_load %arg11[%swap3A_186, %swap3A_187] {strides = array<i32>} : memref<32x256xf32, #tpu.memory_space<vmem>>, vector<16xf32>,
      tpu.vector_store %arg11[%swap3A_186, %swap3A_187], %mul3A_185 {strides = array<i32>} : memref<32x256xf32, #tpu.memory_space<vmem>>, vector<16xf32>,
      %iota3A_189 = tpu.iota {dimensions = array<i32: 0>} : vector<16xi32>
      %add3A_190 = arith.constant 96 : i32
      %add3A_191 = vector.broadcast %add3A_190 : i32 to vector<16xi32>
      %add3A_192 = arith.addi %iota3A_189, %add3A_191 : vector<16xi32>
      %sub3A_193 = arith.subi %add3A_192, %convert_element_type3A : vector<16xi32>
      %rem3A_194 = arith.constant 256 : i32
      %rem3A_195 = vector.broadcast %rem3A_194 : i32 to vector<16xi32>
      %rem3A_196 = arith.remsi %sub3A_193, %rem3A_195 : vector<16xi32>
      %lt3A_197 = arith.constant 0 : i32
      %lt3A_198 = vector.broadcast %lt3A_197 : i32 to vector<16xi32>
      %lt3A_199 = arith.cmpi slt, %rem3A_196, %lt3A_198 : vector<16xi32>
      %jit3A_200 = arith.constant 256 : i32
      %jit3A_201 = arith.constant 0 : i32
      %broadcast_in_dim3A_202 = vector.broadcast %jit3A_200 : i32 to vector<16xi32>
      %broadcast_in_dim3A_203 = vector.broadcast %jit3A_201 : i32 to vector<16xi32>
      %select_n3A_204 = arith.select %lt3A_199, %broadcast_in_dim3A_202, %broadcast_in_dim3A_203 : vector<16xi1>, vector<16xi32>
      %add3A_205 = arith.addi %rem3A_196, %select_n3A_204 : vector<16xi32>
      %gather3A_206 = tpu.vector_load_idx %arg8[%broadcast_in_dim3A, %add3A_205] : memref<25x256xf32, #tpu.memory_space<vmem>>[vector<16xi32>, vector<16xi32>], vector<16xf32>,
      %mul3A_207 = arith.mulf %gather3A_206, %gather3A : vector<16xf32>
      %swap3A_208 = arith.index_cast %scan3A_58 : i32 to index
      %swap3A_209 = arith.constant 96 : index
      %swap3A_210 = tpu.vector_load %arg11[%swap3A_208, %swap3A_209] {strides = array<i32>} : memref<32x256xf32, #tpu.memory_space<vmem>>, vector<16xf32>,
      tpu.vector_store %arg11[%swap3A_208, %swap3A_209], %mul3A_207 {strides = array<i32>} : memref<32x256xf32, #tpu.memory_space<vmem>>, vector<16xf32>,
      %iota3A_211 = tpu.iota {dimensions = array<i32: 0>} : vector<16xi32>
      %add3A_212 = arith.constant 112 : i32
      %add3A_213 = vector.broadcast %add3A_212 : i32 to vector<16xi32>
      %add3A_214 = arith.addi %iota3A_211, %add3A_213 : vector<16xi32>
      %sub3A_215 = arith.subi %add3A_214, %convert_element_type3A : vector<16xi32>
      %rem3A_216 = arith.constant 256 : i32
      %rem3A_217 = vector.broadcast %rem3A_216 : i32 to vector<16xi32>
      %rem3A_218 = arith.remsi %sub3A_215, %rem3A_217 : vector<16xi32>
      %lt3A_219 = arith.constant 0 : i32
      %lt3A_220 = vector.broadcast %lt3A_219 : i32 to vector<16xi32>
      %lt3A_221 = arith.cmpi slt, %rem3A_218, %lt3A_220 : vector<16xi32>
      %jit3A_222 = arith.constant 256 : i32
      %jit3A_223 = arith.constant 0 : i32
      %broadcast_in_dim3A_224 = vector.broadcast %jit3A_222 : i32 to vector<16xi32>
      %broadcast_in_dim3A_225 = vector.broadcast %jit3A_223 : i32 to vector<16xi32>
      %select_n3A_226 = arith.select %lt3A_221, %broadcast_in_dim3A_224, %broadcast_in_dim3A_225 : vector<16xi1>, vector<16xi32>
      %add3A_227 = arith.addi %rem3A_218, %select_n3A_226 : vector<16xi32>
      %gather3A_228 = tpu.vector_load_idx %arg8[%broadcast_in_dim3A, %add3A_227] : memref<25x256xf32, #tpu.memory_space<vmem>>[vector<16xi32>, vector<16xi32>], vector<16xf32>,
      %mul3A_229 = arith.mulf %gather3A_228, %gather3A : vector<16xf32>
      %swap3A_230 = arith.index_cast %scan3A_58 : i32 to index
      %swap3A_231 = arith.constant 112 : index
      %swap3A_232 = tpu.vector_load %arg11[%swap3A_230, %swap3A_231] {strides = array<i32>} : memref<32x256xf32, #tpu.memory_space<vmem>>, vector<16xf32>,
      tpu.vector_store %arg11[%swap3A_230, %swap3A_231], %mul3A_229 {strides = array<i32>} : memref<32x256xf32, #tpu.memory_space<vmem>>, vector<16xf32>,
      %iota3A_233 = tpu.iota {dimensions = array<i32: 0>} : vector<16xi32>
      %add3A_234 = arith.constant 128 : i32
      %add3A_235 = vector.broadcast %add3A_234 : i32 to vector<16xi32>
      %add3A_236 = arith.addi %iota3A_233, %add3A_235 : vector<16xi32>
      %sub3A_237 = arith.subi %add3A_236, %convert_element_type3A : vector<16xi32>
      %rem3A_238 = arith.constant 256 : i32
      %rem3A_239 = vector.broadcast %rem3A_238 : i32 to vector<16xi32>
      %rem3A_240 = arith.remsi %sub3A_237, %rem3A_239 : vector<16xi32>
      %lt3A_241 = arith.constant 0 : i32
      %lt3A_242 = vector.broadcast %lt3A_241 : i32 to vector<16xi32>
      %lt3A_243 = arith.cmpi slt, %rem3A_240, %lt3A_242 : vector<16xi32>
      %jit3A_244 = arith.constant 256 : i32
      %jit3A_245 = arith.constant 0 : i32
      %broadcast_in_dim3A_246 = vector.broadcast %jit3A_244 : i32 to vector<16xi32>
      %broadcast_in_dim3A_247 = vector.broadcast %jit3A_245 : i32 to vector<16xi32>
      %select_n3A_248 = arith.select %lt3A_243, %broadcast_in_dim3A_246, %broadcast_in_dim3A_247 : vector<16xi1>, vector<16xi32>
      %add3A_249 = arith.addi %rem3A_240, %select_n3A_248 : vector<16xi32>
      %gather3A_250 = tpu.vector_load_idx %arg8[%broadcast_in_dim3A, %add3A_249] : memref<25x256xf32, #tpu.memory_space<vmem>>[vector<16xi32>, vector<16xi32>], vector<16xf32>,
      %mul3A_251 = arith.mulf %gather3A_250, %gather3A : vector<16xf32>
      %swap3A_252 = arith.index_cast %scan3A_58 : i32 to index
      %swap3A_253 = arith.constant 128 : index
      %swap3A_254 = tpu.vector_load %arg11[%swap3A_252, %swap3A_253] {strides = array<i32>} : memref<32x256xf32, #tpu.memory_space<vmem>>, vector<16xf32>,
      tpu.vector_store %arg11[%swap3A_252, %swap3A_253], %mul3A_251 {strides = array<i32>} : memref<32x256xf32, #tpu.memory_space<vmem>>, vector<16xf32>,
      %iota3A_255 = tpu.iota {dimensions = array<i32: 0>} : vector<16xi32>
      %add3A_256 = arith.constant 144 : i32
      %add3A_257 = vector.broadcast %add3A_256 : i32 to vector<16xi32>
      %add3A_258 = arith.addi %iota3A_255, %add3A_257 : vector<16xi32>
      %sub3A_259 = arith.subi %add3A_258, %convert_element_type3A : vector<16xi32>
      %rem3A_260 = arith.constant 256 : i32
      %rem3A_261 = vector.broadcast %rem3A_260 : i32 to vector<16xi32>
      %rem3A_262 = arith.remsi %sub3A_259, %rem3A_261 : vector<16xi32>
      %lt3A_263 = arith.constant 0 : i32
      %lt3A_264 = vector.broadcast %lt3A_263 : i32 to vector<16xi32>
      %lt3A_265 = arith.cmpi slt, %rem3A_262, %lt3A_264 : vector<16xi32>
      %jit3A_266 = arith.constant 256 : i32
      %jit3A_267 = arith.constant 0 : i32
      %broadcast_in_dim3A_268 = vector.broadcast %jit3A_266 : i32 to vector<16xi32>
      %broadcast_in_dim3A_269 = vector.broadcast %jit3A_267 : i32 to vector<16xi32>
      %select_n3A_270 = arith.select %lt3A_265, %broadcast_in_dim3A_268, %broadcast_in_dim3A_269 : vector<16xi1>, vector<16xi32>
      %add3A_271 = arith.addi %rem3A_262, %select_n3A_270 : vector<16xi32>
      %gather3A_272 = tpu.vector_load_idx %arg8[%broadcast_in_dim3A, %add3A_271] : memref<25x256xf32, #tpu.memory_space<vmem>>[vector<16xi32>, vector<16xi32>], vector<16xf32>,
      %mul3A_273 = arith.mulf %gather3A_272, %gather3A : vector<16xf32>
      %swap3A_274 = arith.index_cast %scan3A_58 : i32 to index
      %swap3A_275 = arith.constant 144 : index
      %swap3A_276 = tpu.vector_load %arg11[%swap3A_274, %swap3A_275] {strides = array<i32>} : memref<32x256xf32, #tpu.memory_space<vmem>>, vector<16xf32>,
      tpu.vector_store %arg11[%swap3A_274, %swap3A_275], %mul3A_273 {strides = array<i32>} : memref<32x256xf32, #tpu.memory_space<vmem>>, vector<16xf32>,
      %iota3A_277 = tpu.iota {dimensions = array<i32: 0>} : vector<16xi32>
      %add3A_278 = arith.constant 160 : i32
      %add3A_279 = vector.broadcast %add3A_278 : i32 to vector<16xi32>
      %add3A_280 = arith.addi %iota3A_277, %add3A_279 : vector<16xi32>
      %sub3A_281 = arith.subi %add3A_280, %convert_element_type3A : vector<16xi32>
      %rem3A_282 = arith.constant 256 : i32
      %rem3A_283 = vector.broadcast %rem3A_282 : i32 to vector<16xi32>
      %rem3A_284 = arith.remsi %sub3A_281, %rem3A_283 : vector<16xi32>
      %lt3A_285 = arith.constant 0 : i32
      %lt3A_286 = vector.broadcast %lt3A_285 : i32 to vector<16xi32>
      %lt3A_287 = arith.cmpi slt, %rem3A_284, %lt3A_286 : vector<16xi32>
      %jit3A_288 = arith.constant 256 : i32
      %jit3A_289 = arith.constant 0 : i32
      %broadcast_in_dim3A_290 = vector.broadcast %jit3A_288 : i32 to vector<16xi32>
      %broadcast_in_dim3A_291 = vector.broadcast %jit3A_289 : i32 to vector<16xi32>
      %select_n3A_292 = arith.select %lt3A_287, %broadcast_in_dim3A_290, %broadcast_in_dim3A_291 : vector<16xi1>, vector<16xi32>
      %add3A_293 = arith.addi %rem3A_284, %select_n3A_292 : vector<16xi32>
      %gather3A_294 = tpu.vector_load_idx %arg8[%broadcast_in_dim3A, %add3A_293] : memref<25x256xf32, #tpu.memory_space<vmem>>[vector<16xi32>, vector<16xi32>], vector<16xf32>,
      %mul3A_295 = arith.mulf %gather3A_294, %gather3A : vector<16xf32>
      %swap3A_296 = arith.index_cast %scan3A_58 : i32 to index
      %swap3A_297 = arith.constant 160 : index
      %swap3A_298 = tpu.vector_load %arg11[%swap3A_296, %swap3A_297] {strides = array<i32>} : memref<32x256xf32, #tpu.memory_space<vmem>>, vector<16xf32>,
      tpu.vector_store %arg11[%swap3A_296, %swap3A_297], %mul3A_295 {strides = array<i32>} : memref<32x256xf32, #tpu.memory_space<vmem>>, vector<16xf32>,
      %iota3A_299 = tpu.iota {dimensions = array<i32: 0>} : vector<16xi32>
      %add3A_300 = arith.constant 176 : i32
      %add3A_301 = vector.broadcast %add3A_300 : i32 to vector<16xi32>
      %add3A_302 = arith.addi %iota3A_299, %add3A_301 : vector<16xi32>
      %sub3A_303 = arith.subi %add3A_302, %convert_element_type3A : vector<16xi32>
      %rem3A_304 = arith.constant 256 : i32
      %rem3A_305 = vector.broadcast %rem3A_304 : i32 to vector<16xi32>
      %rem3A_306 = arith.remsi %sub3A_303, %rem3A_305 : vector<16xi32>
      %lt3A_307 = arith.constant 0 : i32
      %lt3A_308 = vector.broadcast %lt3A_307 : i32 to vector<16xi32>
      %lt3A_309 = arith.cmpi slt, %rem3A_306, %lt3A_308 : vector<16xi32>
      %jit3A_310 = arith.constant 256 : i32
      %jit3A_311 = arith.constant 0 : i32
      %broadcast_in_dim3A_312 = vector.broadcast %jit3A_310 : i32 to vector<16xi32>
      %broadcast_in_dim3A_313 = vector.broadcast %jit3A_311 : i32 to vector<16xi32>
      %select_n3A_314 = arith.select %lt3A_309, %broadcast_in_dim3A_312, %broadcast_in_dim3A_313 : vector<16xi1>, vector<16xi32>
      %add3A_315 = arith.addi %rem3A_306, %select_n3A_314 : vector<16xi32>
      %gather3A_316 = tpu.vector_load_idx %arg8[%broadcast_in_dim3A, %add3A_315] : memref<25x256xf32, #tpu.memory_space<vmem>>[vector<16xi32>, vector<16xi32>], vector<16xf32>,
      %mul3A_317 = arith.mulf %gather3A_316, %gather3A : vector<16xf32>
      %swap3A_318 = arith.index_cast %scan3A_58 : i32 to index
      %swap3A_319 = arith.constant 176 : index
      %swap3A_320 = tpu.vector_load %arg11[%swap3A_318, %swap3A_319] {strides = array<i32>} : memref<32x256xf32, #tpu.memory_space<vmem>>, vector<16xf32>,
      tpu.vector_store %arg11[%swap3A_318, %swap3A_319], %mul3A_317 {strides = array<i32>} : memref<32x256xf32, #tpu.memory_space<vmem>>, vector<16xf32>,
      %iota3A_321 = tpu.iota {dimensions = array<i32: 0>} : vector<16xi32>
      %add3A_322 = arith.constant 192 : i32
      %add3A_323 = vector.broadcast %add3A_322 : i32 to vector<16xi32>
      %add3A_324 = arith.addi %iota3A_321, %add3A_323 : vector<16xi32>
      %sub3A_325 = arith.subi %add3A_324, %convert_element_type3A : vector<16xi32>
      %rem3A_326 = arith.constant 256 : i32
      %rem3A_327 = vector.broadcast %rem3A_326 : i32 to vector<16xi32>
      %rem3A_328 = arith.remsi %sub3A_325, %rem3A_327 : vector<16xi32>
      %lt3A_329 = arith.constant 0 : i32
      %lt3A_330 = vector.broadcast %lt3A_329 : i32 to vector<16xi32>
      %lt3A_331 = arith.cmpi slt, %rem3A_328, %lt3A_330 : vector<16xi32>
      %jit3A_332 = arith.constant 256 : i32
      %jit3A_333 = arith.constant 0 : i32
      %broadcast_in_dim3A_334 = vector.broadcast %jit3A_332 : i32 to vector<16xi32>
      %broadcast_in_dim3A_335 = vector.broadcast %jit3A_333 : i32 to vector<16xi32>
      %select_n3A_336 = arith.select %lt3A_331, %broadcast_in_dim3A_334, %broadcast_in_dim3A_335 : vector<16xi1>, vector<16xi32>
      %add3A_337 = arith.addi %rem3A_328, %select_n3A_336 : vector<16xi32>
      %gather3A_338 = tpu.vector_load_idx %arg8[%broadcast_in_dim3A, %add3A_337] : memref<25x256xf32, #tpu.memory_space<vmem>>[vector<16xi32>, vector<16xi32>], vector<16xf32>,
      %mul3A_339 = arith.mulf %gather3A_338, %gather3A : vector<16xf32>
      %swap3A_340 = arith.index_cast %scan3A_58 : i32 to index
      %swap3A_341 = arith.constant 192 : index
      %swap3A_342 = tpu.vector_load %arg11[%swap3A_340, %swap3A_341] {strides = array<i32>} : memref<32x256xf32, #tpu.memory_space<vmem>>, vector<16xf32>,
      tpu.vector_store %arg11[%swap3A_340, %swap3A_341], %mul3A_339 {strides = array<i32>} : memref<32x256xf32, #tpu.memory_space<vmem>>, vector<16xf32>,
      %iota3A_343 = tpu.iota {dimensions = array<i32: 0>} : vector<16xi32>
      %add3A_344 = arith.constant 208 : i32
      %add3A_345 = vector.broadcast %add3A_344 : i32 to vector<16xi32>
      %add3A_346 = arith.addi %iota3A_343, %add3A_345 : vector<16xi32>
      %sub3A_347 = arith.subi %add3A_346, %convert_element_type3A : vector<16xi32>
      %rem3A_348 = arith.constant 256 : i32
      %rem3A_349 = vector.broadcast %rem3A_348 : i32 to vector<16xi32>
      %rem3A_350 = arith.remsi %sub3A_347, %rem3A_349 : vector<16xi32>
      %lt3A_351 = arith.constant 0 : i32
      %lt3A_352 = vector.broadcast %lt3A_351 : i32 to vector<16xi32>
      %lt3A_353 = arith.cmpi slt, %rem3A_350, %lt3A_352 : vector<16xi32>
      %jit3A_354 = arith.constant 256 : i32
      %jit3A_355 = arith.constant 0 : i32
      %broadcast_in_dim3A_356 = vector.broadcast %jit3A_354 : i32 to vector<16xi32>
      %broadcast_in_dim3A_357 = vector.broadcast %jit3A_355 : i32 to vector<16xi32>
      %select_n3A_358 = arith.select %lt3A_353, %broadcast_in_dim3A_356, %broadcast_in_dim3A_357 : vector<16xi1>, vector<16xi32>
      %add3A_359 = arith.addi %rem3A_350, %select_n3A_358 : vector<16xi32>
      %gather3A_360 = tpu.vector_load_idx %arg8[%broadcast_in_dim3A, %add3A_359] : memref<25x256xf32, #tpu.memory_space<vmem>>[vector<16xi32>, vector<16xi32>], vector<16xf32>,
      %mul3A_361 = arith.mulf %gather3A_360, %gather3A : vector<16xf32>
      %swap3A_362 = arith.index_cast %scan3A_58 : i32 to index
      %swap3A_363 = arith.constant 208 : index
      %swap3A_364 = tpu.vector_load %arg11[%swap3A_362, %swap3A_363] {strides = array<i32>} : memref<32x256xf32, #tpu.memory_space<vmem>>, vector<16xf32>,
      tpu.vector_store %arg11[%swap3A_362, %swap3A_363], %mul3A_361 {strides = array<i32>} : memref<32x256xf32, #tpu.memory_space<vmem>>, vector<16xf32>,
      %iota3A_365 = tpu.iota {dimensions = array<i32: 0>} : vector<16xi32>
      %add3A_366 = arith.constant 224 : i32
      %add3A_367 = vector.broadcast %add3A_366 : i32 to vector<16xi32>
      %add3A_368 = arith.addi %iota3A_365, %add3A_367 : vector<16xi32>
      %sub3A_369 = arith.subi %add3A_368, %convert_element_type3A : vector<16xi32>
      %rem3A_370 = arith.constant 256 : i32
      %rem3A_371 = vector.broadcast %rem3A_370 : i32 to vector<16xi32>
      %rem3A_372 = arith.remsi %sub3A_369, %rem3A_371 : vector<16xi32>
      %lt3A_373 = arith.constant 0 : i32
      %lt3A_374 = vector.broadcast %lt3A_373 : i32 to vector<16xi32>
      %lt3A_375 = arith.cmpi slt, %rem3A_372, %lt3A_374 : vector<16xi32>
      %jit3A_376 = arith.constant 256 : i32
      %jit3A_377 = arith.constant 0 : i32
      %broadcast_in_dim3A_378 = vector.broadcast %jit3A_376 : i32 to vector<16xi32>
      %broadcast_in_dim3A_379 = vector.broadcast %jit3A_377 : i32 to vector<16xi32>
      %select_n3A_380 = arith.select %lt3A_375, %broadcast_in_dim3A_378, %broadcast_in_dim3A_379 : vector<16xi1>, vector<16xi32>
      %add3A_381 = arith.addi %rem3A_372, %select_n3A_380 : vector<16xi32>
      %gather3A_382 = tpu.vector_load_idx %arg8[%broadcast_in_dim3A, %add3A_381] : memref<25x256xf32, #tpu.memory_space<vmem>>[vector<16xi32>, vector<16xi32>], vector<16xf32>,
      %mul3A_383 = arith.mulf %gather3A_382, %gather3A : vector<16xf32>
      %swap3A_384 = arith.index_cast %scan3A_58 : i32 to index
      %swap3A_385 = arith.constant 224 : index
      %swap3A_386 = tpu.vector_load %arg11[%swap3A_384, %swap3A_385] {strides = array<i32>} : memref<32x256xf32, #tpu.memory_space<vmem>>, vector<16xf32>,
      tpu.vector_store %arg11[%swap3A_384, %swap3A_385], %mul3A_383 {strides = array<i32>} : memref<32x256xf32, #tpu.memory_space<vmem>>, vector<16xf32>,
      %iota3A_387 = tpu.iota {dimensions = array<i32: 0>} : vector<16xi32>
      %add3A_388 = arith.constant 240 : i32
      %add3A_389 = vector.broadcast %add3A_388 : i32 to vector<16xi32>
      %add3A_390 = arith.addi %iota3A_387, %add3A_389 : vector<16xi32>
      %sub3A_391 = arith.subi %add3A_390, %convert_element_type3A : vector<16xi32>
      %rem3A_392 = arith.constant 256 : i32
      %rem3A_393 = vector.broadcast %rem3A_392 : i32 to vector<16xi32>
      %rem3A_394 = arith.remsi %sub3A_391, %rem3A_393 : vector<16xi32>
      %lt3A_395 = arith.constant 0 : i32
      %lt3A_396 = vector.broadcast %lt3A_395 : i32 to vector<16xi32>
      %lt3A_397 = arith.cmpi slt, %rem3A_394, %lt3A_396 : vector<16xi32>
      %jit3A_398 = arith.constant 256 : i32
      %jit3A_399 = arith.constant 0 : i32
      %broadcast_in_dim3A_400 = vector.broadcast %jit3A_398 : i32 to vector<16xi32>
      %broadcast_in_dim3A_401 = vector.broadcast %jit3A_399 : i32 to vector<16xi32>
      %select_n3A_402 = arith.select %lt3A_397, %broadcast_in_dim3A_400, %broadcast_in_dim3A_401 : vector<16xi1>, vector<16xi32>
      %add3A_403 = arith.addi %rem3A_394, %select_n3A_402 : vector<16xi32>
      %gather3A_404 = tpu.vector_load_idx %arg8[%broadcast_in_dim3A, %add3A_403] : memref<25x256xf32, #tpu.memory_space<vmem>>[vector<16xi32>, vector<16xi32>], vector<16xf32>,
      %mul3A_405 = arith.mulf %gather3A_404, %gather3A : vector<16xf32>
      %swap3A_406 = arith.index_cast %scan3A_58 : i32 to index
      %swap3A_407 = arith.constant 240 : index
      %swap3A_408 = tpu.vector_load %arg11[%swap3A_406, %swap3A_407] {strides = array<i32>} : memref<32x256xf32, #tpu.memory_space<vmem>>, vector<16xf32>,
      tpu.vector_store %arg11[%swap3A_406, %swap3A_407], %mul3A_405 {strides = array<i32>} : memref<32x256xf32, #tpu.memory_space<vmem>>, vector<16xf32>,
      %scan3A_409 = arith.constant 0 : i32
      scf.yield %scan3A_409 : i32
    }
    %scan3A_9 = arith.constant 25 : i32
    %mul3A_10 = arith.constant 128 : i32
    %mul3A_11 = arith.muli %arg0, %mul3A_10 : i32
    %mul3A_12 = arith.constant 8 : i32
    %mul3A_13 = arith.muli %mul3A_12, %arg1 : i32
    %add3A_14 = arith.addi %mul3A_11, %mul3A_13 : i32
    %mul3A_15 = arith.constant 32 : i32
    %mul3A_16 = arith.muli %add3A_14, %mul3A_15 : i32
    %add3A_17 = arith.constant 0 : i32
    %add3A_18 = arith.addi %mul3A_16, %add3A_17 : i32
    "tpu.region"() ({
      %run_scoped3A = tpu.sem_alloc : memref<!tpu.dma_semaphore, #tpu.memory_space<semaphore_mem>>
      %dma_start3A_58 = arith.constant 0 : i32
      %dma_start3A_59 = tpu.memref_slice %arg7[%add3A_18, %dma_start3A_58] : memref<8192x256xf32, #tpu.memory_space<hbm>> -> memref<32x256xf32, #tpu.memory_space<hbm>>
      %dma_start3A_60 = arith.constant 0 : i32
      %dma_start3A_61 = tpu.memref_slice %arg7[%add3A_18, %dma_start3A_60] : memref<8192x256xf32, #tpu.memory_space<hbm>> -> memref<32x256xf32, #tpu.memory_space<hbm>>
      tpu.enqueue_dma source(%arg11 : memref<32x256xf32, #tpu.memory_space<vmem>>) target(%dma_start3A_61 : memref<32x256xf32, #tpu.memory_space<hbm>>) target_semaphore(%run_scoped3A : memref<!tpu.dma_semaphore, #tpu.memory_space<semaphore_mem>>)
      %dma_wait3A_62 = arith.constant 0 : i32
      %dma_wait3A_63 = tpu.memref_slice %arg7[%add3A_18, %dma_wait3A_62] : memref<8192x256xf32, #tpu.memory_space<hbm>> -> memref<32x256xf32, #tpu.memory_space<hbm>>
      %dma_wait3A_64 = arith.constant 0 : i32
      %dma_wait3A_65 = tpu.memref_slice %arg7[%add3A_18, %dma_wait3A_64] : memref<8192x256xf32, #tpu.memory_space<hbm>> -> memref<32x256xf32, #tpu.memory_space<hbm>>
      tpu.wait_dma2 semaphore(%run_scoped3A : memref<!tpu.dma_semaphore, #tpu.memory_space<semaphore_mem>>) src(%arg11 : memref<32x256xf32, #tpu.memory_space<vmem>>) dst(%dma_wait3A_65 : memref<32x256xf32, #tpu.memory_space<hbm>>)
      tpu.yield
    }) : () -> ()
    %add3A_19 = arith.constant 32 : i32
    %add3A_20 = arith.addi %mul3A_16, %add3A_19 : i32
    "tpu.region"() ({
      %run_scoped3A = tpu.sem_alloc : memref<!tpu.dma_semaphore, #tpu.memory_space<semaphore_mem>>
      %dma_start3A_58 = arith.constant 0 : i32
      %dma_start3A_59 = tpu.memref_slice %arg7[%add3A_20, %dma_start3A_58] : memref<8192x256xf32, #tpu.memory_space<hbm>> -> memref<32x256xf32, #tpu.memory_space<hbm>>
      %dma_start3A_60 = arith.constant 0 : i32
      %dma_start3A_61 = tpu.memref_slice %arg7[%add3A_20, %dma_start3A_60] : memref<8192x256xf32, #tpu.memory_space<hbm>> -> memref<32x256xf32, #tpu.memory_space<hbm>>
      tpu.enqueue_dma source(%arg11 : memref<32x256xf32, #tpu.memory_space<vmem>>) target(%dma_start3A_61 : memref<32x256xf32, #tpu.memory_space<hbm>>) target_semaphore(%run_scoped3A : memref<!tpu.dma_semaphore, #tpu.memory_space<semaphore_mem>>)
      %dma_wait3A_62 = arith.constant 0 : i32
      %dma_wait3A_63 = tpu.memref_slice %arg7[%add3A_20, %dma_wait3A_62] : memref<8192x256xf32, #tpu.memory_space<hbm>> -> memref<32x256xf32, #tpu.memory_space<hbm>>
      %dma_wait3A_64 = arith.constant 0 : i32
      %dma_wait3A_65 = tpu.memref_slice %arg7[%add3A_20, %dma_wait3A_64] : memref<8192x256xf32, #tpu.memory_space<hbm>> -> memref<32x256xf32, #tpu.memory_space<hbm>>
      tpu.wait_dma2 semaphore(%run_scoped3A : memref<!tpu.dma_semaphore, #tpu.memory_space<semaphore_mem>>) src(%arg11 : memref<32x256xf32, #tpu.memory_space<vmem>>) dst(%dma_wait3A_65 : memref<32x256xf32, #tpu.memory_space<hbm>>)
      tpu.yield
    }) : () -> ()
    %add3A_21 = arith.constant 64 : i32
    %add3A_22 = arith.addi %mul3A_16, %add3A_21 : i32
    "tpu.region"() ({
      %run_scoped3A = tpu.sem_alloc : memref<!tpu.dma_semaphore, #tpu.memory_space<semaphore_mem>>
      %dma_start3A_58 = arith.constant 0 : i32
      %dma_start3A_59 = tpu.memref_slice %arg7[%add3A_22, %dma_start3A_58] : memref<8192x256xf32, #tpu.memory_space<hbm>> -> memref<32x256xf32, #tpu.memory_space<hbm>>
      %dma_start3A_60 = arith.constant 0 : i32
      %dma_start3A_61 = tpu.memref_slice %arg7[%add3A_22, %dma_start3A_60] : memref<8192x256xf32, #tpu.memory_space<hbm>> -> memref<32x256xf32, #tpu.memory_space<hbm>>
      tpu.enqueue_dma source(%arg11 : memref<32x256xf32, #tpu.memory_space<vmem>>) target(%dma_start3A_61 : memref<32x256xf32, #tpu.memory_space<hbm>>) target_semaphore(%run_scoped3A : memref<!tpu.dma_semaphore, #tpu.memory_space<semaphore_mem>>)
      %dma_wait3A_62 = arith.constant 0 : i32
      %dma_wait3A_63 = tpu.memref_slice %arg7[%add3A_22, %dma_wait3A_62] : memref<8192x256xf32, #tpu.memory_space<hbm>> -> memref<32x256xf32, #tpu.memory_space<hbm>>
      %dma_wait3A_64 = arith.constant 0 : i32
      %dma_wait3A_65 = tpu.memref_slice %arg7[%add3A_22, %dma_wait3A_64] : memref<8192x256xf32, #tpu.memory_space<hbm>> -> memref<32x256xf32, #tpu.memory_space<hbm>>
      tpu.wait_dma2 semaphore(%run_scoped3A : memref<!tpu.dma_semaphore, #tpu.memory_space<semaphore_mem>>) src(%arg11 : memref<32x256xf32, #tpu.memory_space<vmem>>) dst(%dma_wait3A_65 : memref<32x256xf32, #tpu.memory_space<hbm>>)
      tpu.yield
    }) : () -> ()
    %add3A_23 = arith.constant 96 : i32
    %add3A_24 = arith.addi %mul3A_16, %add3A_23 : i32
    "tpu.region"() ({
      %run_scoped3A = tpu.sem_alloc : memref<!tpu.dma_semaphore, #tpu.memory_space<semaphore_mem>>
      %dma_start3A_58 = arith.constant 0 : i32
      %dma_start3A_59 = tpu.memref_slice %arg7[%add3A_24, %dma_start3A_58] : memref<8192x256xf32, #tpu.memory_space<hbm>> -> memref<32x256xf32, #tpu.memory_space<hbm>>
      %dma_start3A_60 = arith.constant 0 : i32
      %dma_start3A_61 = tpu.memref_slice %arg7[%add3A_24, %dma_start3A_60] : memref<8192x256xf32, #tpu.memory_space<hbm>> -> memref<32x256xf32, #tpu.memory_space<hbm>>
      tpu.enqueue_dma source(%arg11 : memref<32x256xf32, #tpu.memory_space<vmem>>) target(%dma_start3A_61 : memref<32x256xf32, #tpu.memory_space<hbm>>) target_semaphore(%run_scoped3A : memref<!tpu.dma_semaphore, #tpu.memory_space<semaphore_mem>>)
      %dma_wait3A_62 = arith.constant 0 : i32
      %dma_wait3A_63 = tpu.memref_slice %arg7[%add3A_24, %dma_wait3A_62] : memref<8192x256xf32, #tpu.memory_space<hbm>> -> memref<32x256xf32, #tpu.memory_space<hbm>>
      %dma_wait3A_64 = arith.constant 0 : i32
      %dma_wait3A_65 = tpu.memref_slice %arg7[%add3A_24, %dma_wait3A_64] : memref<8192x256xf32, #tpu.memory_space<hbm>> -> memref<32x256xf32, #tpu.memory_space<hbm>>
      tpu.wait_dma2 semaphore(%run_scoped3A : memref<!tpu.dma_semaphore, #tpu.memory_space<semaphore_mem>>) src(%arg11 : memref<32x256xf32, #tpu.memory_space<vmem>>) dst(%dma_wait3A_65 : memref<32x256xf32, #tpu.memory_space<hbm>>)
      tpu.yield
    }) : () -> ()
    %add3A_25 = arith.constant 128 : i32
    %add3A_26 = arith.addi %mul3A_16, %add3A_25 : i32
    "tpu.region"() ({
      %run_scoped3A = tpu.sem_alloc : memref<!tpu.dma_semaphore, #tpu.memory_space<semaphore_mem>>
      %dma_start3A_58 = arith.constant 0 : i32
      %dma_start3A_59 = tpu.memref_slice %arg7[%add3A_26, %dma_start3A_58] : memref<8192x256xf32, #tpu.memory_space<hbm>> -> memref<32x256xf32, #tpu.memory_space<hbm>>
      %dma_start3A_60 = arith.constant 0 : i32
      %dma_start3A_61 = tpu.memref_slice %arg7[%add3A_26, %dma_start3A_60] : memref<8192x256xf32, #tpu.memory_space<hbm>> -> memref<32x256xf32, #tpu.memory_space<hbm>>
      tpu.enqueue_dma source(%arg11 : memref<32x256xf32, #tpu.memory_space<vmem>>) target(%dma_start3A_61 : memref<32x256xf32, #tpu.memory_space<hbm>>) target_semaphore(%run_scoped3A : memref<!tpu.dma_semaphore, #tpu.memory_space<semaphore_mem>>)
      %dma_wait3A_62 = arith.constant 0 : i32
      %dma_wait3A_63 = tpu.memref_slice %arg7[%add3A_26, %dma_wait3A_62] : memref<8192x256xf32, #tpu.memory_space<hbm>> -> memref<32x256xf32, #tpu.memory_space<hbm>>
      %dma_wait3A_64 = arith.constant 0 : i32
      %dma_wait3A_65 = tpu.memref_slice %arg7[%add3A_26, %dma_wait3A_64] : memref<8192x256xf32, #tpu.memory_space<hbm>> -> memref<32x256xf32, #tpu.memory_space<hbm>>
      tpu.wait_dma2 semaphore(%run_scoped3A : memref<!tpu.dma_semaphore, #tpu.memory_space<semaphore_mem>>) src(%arg11 : memref<32x256xf32, #tpu.memory_space<vmem>>) dst(%dma_wait3A_65 : memref<32x256xf32, #tpu.memory_space<hbm>>)
      tpu.yield
    }) : () -> ()
    %add3A_27 = arith.constant 160 : i32
    %add3A_28 = arith.addi %mul3A_16, %add3A_27 : i32
    "tpu.region"() ({
      %run_scoped3A = tpu.sem_alloc : memref<!tpu.dma_semaphore, #tpu.memory_space<semaphore_mem>>
      %dma_start3A_58 = arith.constant 0 : i32
      %dma_start3A_59 = tpu.memref_slice %arg7[%add3A_28, %dma_start3A_58] : memref<8192x256xf32, #tpu.memory_space<hbm>> -> memref<32x256xf32, #tpu.memory_space<hbm>>
      %dma_start3A_60 = arith.constant 0 : i32
      %dma_start3A_61 = tpu.memref_slice %arg7[%add3A_28, %dma_start3A_60] : memref<8192x256xf32, #tpu.memory_space<hbm>> -> memref<32x256xf32, #tpu.memory_space<hbm>>
      tpu.enqueue_dma source(%arg11 : memref<32x256xf32, #tpu.memory_space<vmem>>) target(%dma_start3A_61 : memref<32x256xf32, #tpu.memory_space<hbm>>) target_semaphore(%run_scoped3A : memref<!tpu.dma_semaphore, #tpu.memory_space<semaphore_mem>>)
      %dma_wait3A_62 = arith.constant 0 : i32
      %dma_wait3A_63 = tpu.memref_slice %arg7[%add3A_28, %dma_wait3A_62] : memref<8192x256xf32, #tpu.memory_space<hbm>> -> memref<32x256xf32, #tpu.memory_space<hbm>>
      %dma_wait3A_64 = arith.constant 0 : i32
      %dma_wait3A_65 = tpu.memref_slice %arg7[%add3A_28, %dma_wait3A_64] : memref<8192x256xf32, #tpu.memory_space<hbm>> -> memref<32x256xf32, #tpu.memory_space<hbm>>
      tpu.wait_dma2 semaphore(%run_scoped3A : memref<!tpu.dma_semaphore, #tpu.memory_space<semaphore_mem>>) src(%arg11 : memref<32x256xf32, #tpu.memory_space<vmem>>) dst(%dma_wait3A_65 : memref<32x256xf32, #tpu.memory_space<hbm>>)
      tpu.yield
    }) : () -> ()
    %add3A_29 = arith.constant 192 : i32
    %add3A_30 = arith.addi %mul3A_16, %add3A_29 : i32
    "tpu.region"() ({
      %run_scoped3A = tpu.sem_alloc : memref<!tpu.dma_semaphore, #tpu.memory_space<semaphore_mem>>
      %dma_start3A_58 = arith.constant 0 : i32
      %dma_start3A_59 = tpu.memref_slice %arg7[%add3A_30, %dma_start3A_58] : memref<8192x256xf32, #tpu.memory_space<hbm>> -> memref<32x256xf32, #tpu.memory_space<hbm>>
      %dma_start3A_60 = arith.constant 0 : i32
      %dma_start3A_61 = tpu.memref_slice %arg7[%add3A_30, %dma_start3A_60] : memref<8192x256xf32, #tpu.memory_space<hbm>> -> memref<32x256xf32, #tpu.memory_space<hbm>>
      tpu.enqueue_dma source(%arg11 : memref<32x256xf32, #tpu.memory_space<vmem>>) target(%dma_start3A_61 : memref<32x256xf32, #tpu.memory_space<hbm>>) target_semaphore(%run_scoped3A : memref<!tpu.dma_semaphore, #tpu.memory_space<semaphore_mem>>)
      %dma_wait3A_62 = arith.constant 0 : i32
      %dma_wait3A_63 = tpu.memref_slice %arg7[%add3A_30, %dma_wait3A_62] : memref<8192x256xf32, #tpu.memory_space<hbm>> -> memref<32x256xf32, #tpu.memory_space<hbm>>
      %dma_wait3A_64 = arith.constant 0 : i32
      %dma_wait3A_65 = tpu.memref_slice %arg7[%add3A_30, %dma_wait3A_64] : memref<8192x256xf32, #tpu.memory_space<hbm>> -> memref<32x256xf32, #tpu.memory_space<hbm>>
      tpu.wait_dma2 semaphore(%run_scoped3A : memref<!tpu.dma_semaphore, #tpu.memory_space<semaphore_mem>>) src(%arg11 : memref<32x256xf32, #tpu.memory_space<vmem>>) dst(%dma_wait3A_65 : memref<32x256xf32, #tpu.memory_space<hbm>>)
      tpu.yield
    }) : () -> ()
    %add3A_31 = arith.constant 224 : i32
    %add3A_32 = arith.addi %mul3A_16, %add3A_31 : i32
    "tpu.region"() ({
      %run_scoped3A = tpu.sem_alloc : memref<!tpu.dma_semaphore, #tpu.memory_space<semaphore_mem>>
      %dma_start3A_58 = arith.constant 0 : i32
      %dma_start3A_59 = tpu.memref_slice %arg7[%add3A_32, %dma_start3A_58] : memref<8192x256xf32, #tpu.memory_space<hbm>> -> memref<32x256xf32, #tpu.memory_space<hbm>>
      %dma_start3A_60 = arith.constant 0 : i32
      %dma_start3A_61 = tpu.memref_slice %arg7[%add3A_32, %dma_start3A_60] : memref<8192x256xf32, #tpu.memory_space<hbm>> -> memref<32x256xf32, #tpu.memory_space<hbm>>
      tpu.enqueue_dma source(%arg11 : memref<32x256xf32, #tpu.memory_space<vmem>>) target(%dma_start3A_61 : memref<32x256xf32, #tpu.memory_space<hbm>>) target_semaphore(%run_scoped3A : memref<!tpu.dma_semaphore, #tpu.memory_space<semaphore_mem>>)
      %dma_wait3A_62 = arith.constant 0 : i32
      %dma_wait3A_63 = tpu.memref_slice %arg7[%add3A_32, %dma_wait3A_62] : memref<8192x256xf32, #tpu.memory_space<hbm>> -> memref<32x256xf32, #tpu.memory_space<hbm>>
      %dma_wait3A_64 = arith.constant 0 : i32
      %dma_wait3A_65 = tpu.memref_slice %arg7[%add3A_32, %dma_wait3A_64] : memref<8192x256xf32, #tpu.memory_space<hbm>> -> memref<32x256xf32, #tpu.memory_space<hbm>>
      tpu.wait_dma2 semaphore(%run_scoped3A : memref<!tpu.dma_semaphore, #tpu.memory_space<semaphore_mem>>) src(%arg11 : memref<32x256xf32, #tpu.memory_space<vmem>>) dst(%dma_wait3A_65 : memref<32x256xf32, #tpu.memory_space<hbm>>)
      tpu.yield
    }) : () -> ()
    %dma_wait3A = tpu.memref_slice %arg5[%mul3A_2] : memref<204800xi32, #tpu.memory_space<hbm>> -> memref<6400xi32, #tpu.memory_space<hbm>>
    %dma_wait3A_33 = tpu.memref_slice %arg5[%mul3A_2] : memref<204800xi32, #tpu.memory_space<hbm>> -> memref<6400xi32, #tpu.memory_space<hbm>>
    tpu.wait_dma2 semaphore(%arg15 : memref<!tpu.dma_semaphore, #tpu.memory_space<semaphore_mem>>) src(%dma_wait3A_33 : memref<6400xi32, #tpu.memory_space<hbm>>) dst(%arg12 : memref<6400xi32, #tpu.memory_space<vmem>>)
    %scan3A_34 = arith.constant 0 : i32
    %scan3A_35 = arith.constant 0 : i32
    %scan3A_36 = arith.constant 400 : i32
    %scan3A_37 = arith.addi %scan3A_35, %scan3A_36 : i32
    %scan3A_38 = arith.constant 1 : i32
    %scan3A_39 = scf.for %scan3A_58 = %scan3A_35 to %scan3A_37 step %scan3A_38 iter_args(%scan3A_59 = %scan3A_34) -> (i32)  : i32 {
      %mul3A_60 = arith.constant 128 : i32
      %mul3A_61 = arith.muli %arg0, %mul3A_60 : i32
      %iota3A = tpu.iota {dimensions = array<i32: 0>} : vector<16xi32>
      %mul3A_62 = arith.constant 16 : i32
      %mul3A_63 = arith.muli %scan3A_58, %mul3A_62 : i32
      %add3A_64 = vector.broadcast %mul3A_63 : i32 to vector<16xi32>
      %add3A_65 = arith.addi %iota3A, %add3A_64 : vector<16xi32>
      %jit3A = arith.constant 128 : i32
      %eq3A = arith.constant 0 : i32
      %eq3A_66 = arith.cmpi eq, %jit3A, %eq3A : i32
      %jit3A_67 = arith.constant 1 : i32
      %select_n3A = arith.select %eq3A_66, %jit3A_67, %jit3A : i32
      %rem3A = vector.broadcast %select_n3A : i32 to vector<16xi32>
      %rem3A_68 = arith.remsi %add3A_65, %rem3A : vector<16xi32>
      %ne3A = arith.constant 0 : i32
      %ne3A_69 = vector.broadcast %ne3A : i32 to vector<16xi32>
      %ne3A_70 = arith.cmpi ne, %rem3A_68, %ne3A_69 : vector<16xi32>
      %lt3A = arith.constant 0 : i32
      %lt3A_71 = vector.broadcast %lt3A : i32 to vector<16xi32>
      %lt3A_72 = arith.cmpi slt, %rem3A_68, %lt3A_71 : vector<16xi32>
      %lt3A_73 = arith.constant 0 : i32
      %lt3A_74 = arith.cmpi slt, %select_n3A, %lt3A_73 : i32
      %ne3A_75 = vector.broadcast %lt3A_74 : i1 to vector<16xi1>
      %ne3A_76 = vector.broadcast %ne3A_75 : vector<16xi1> to vector<16xi1>
      %ne3A_77 = arith.xori %lt3A_72, %ne3A_76 : vector<16xi1>
      %and3A = arith.andi %ne3A_77, %ne3A_70 : vector<16xi1>
      %add3A_78 = vector.broadcast %select_n3A : i32 to vector<16xi32>
      %add3A_79 = arith.addi %rem3A_68, %add3A_78 : vector<16xi32>
      %select_n3A_80 = arith.select %and3A, %add3A_79, %rem3A_68 : vector<16xi1>, vector<16xi32>
      %add3A_81 = vector.broadcast %mul3A_61 : i32 to vector<16xi32>
      %add3A_82 = arith.addi %add3A_81, %select_n3A_80 : vector<16xi32>
      %mul3A_83 = arith.constant 32 : i32
      %mul3A_84 = vector.broadcast %mul3A_83 : i32 to vector<16xi32>
      %mul3A_85 = arith.muli %add3A_82, %mul3A_84 : vector<16xi32>
      %mul3A_86 = arith.constant 16 : i32
      %mul3A_87 = arith.muli %scan3A_58, %mul3A_86 : i32
      %get3A = arith.index_cast %mul3A_87 : i32 to index
      %get3A_88 = tpu.vector_load %arg12[%get3A] {strides = array<i32>} : memref<6400xi32, #tpu.memory_space<vmem>>, vector<16xi32>,
      %add3A_89 = arith.addi %get3A_88, %mul3A_85 : vector<16xi32>
      %mul3A_90 = arith.constant 16 : i32
      %mul3A_91 = arith.muli %scan3A_58, %mul3A_90 : i32
      %swap3A = arith.index_cast %mul3A_91 : i32 to index
      %swap3A_92 = tpu.vector_load %arg12[%swap3A] {strides = array<i32>} : memref<6400xi32, #tpu.memory_space<vmem>>, vector<16xi32>,
      tpu.vector_store %arg12[%swap3A], %add3A_89 {strides = array<i32>} : memref<6400xi32, #tpu.memory_space<vmem>>, vector<16xi32>,
      %scan3A_93 = arith.constant 0 : i32
      scf.yield %scan3A_93 : i32
    }
    %scan3A_40 = arith.constant 400 : i32
    %barrier3A = arith.constant 0 : index
    tpu.barrier barrier_id(%barrier3A)
    %dma_start3A_41 = arith.constant 0 : i32
    %dma_start3A_42 = tpu.memref_slice %arg12[%dma_start3A_41] : memref<6400xi32, #tpu.memory_space<vmem>> -> memref<200xi32, #tpu.memory_space<vmem>>
    %dma_start3A_43 = arith.constant 0 : i32
    %dma_start3A_44 = arith.constant 0 : i32
    %dma_start3A_45 = tpu.memref_slice %arg7[%dma_start3A_43, %dma_start3A_44] : memref<8192x256xf32, #tpu.memory_space<hbm>> -> memref<8192x256xf32, #tpu.memory_space<hbm>>
    tpu.enqueue_indirect_dma source(%dma_start3A_45 : memref<8192x256xf32, #tpu.memory_space<hbm>>) target(%arg13 : memref<200x256xf32, #tpu.memory_space<vmem>>) offsets(%dma_start3A_42 : memref<200xi32, #tpu.memory_space<vmem>>) semaphore(%arg16 : memref<!tpu.dma_semaphore, #tpu.memory_space<semaphore_mem>>)
    %dma_start3A_46 = arith.constant 200 : i32
    %dma_start3A_47 = tpu.memref_slice %arg12[%dma_start3A_46] : memref<6400xi32, #tpu.memory_space<vmem>> -> memref<200xi32, #tpu.memory_space<vmem>>
    %dma_start3A_48 = arith.constant 0 : i32
    %dma_start3A_49 = arith.constant 0 : i32
    %dma_start3A_50 = tpu.memref_slice %arg7[%dma_start3A_48, %dma_start3A_49] : memref<8192x256xf32, #tpu.memory_space<hbm>> -> memref<8192x256xf32, #tpu.memory_space<hbm>>
    tpu.enqueue_indirect_dma source(%dma_start3A_50 : memref<8192x256xf32, #tpu.memory_space<hbm>>) target(%arg14 : memref<200x256xf32, #tpu.memory_space<vmem>>) offsets(%dma_start3A_47 : memref<200xi32, #tpu.memory_space<vmem>>) semaphore(%arg17 : memref<!tpu.dma_semaphore, #tpu.memory_space<semaphore_mem>>)
    %scan3A_51 = arith.constant 0 : i32
    %scan3A_52 = arith.constant 0 : i32
    %scan3A_53 = arith.constant 16 : i32
    %scan3A_54 = arith.addi %scan3A_52, %scan3A_53 : i32
    %scan3A_55 = arith.constant 1 : i32
    %scan3A_56 = scf.for %scan3A_58 = %scan3A_52 to %scan3A_54 step %scan3A_55 iter_args(%scan3A_59 = %scan3A_51) -> (i32)  : i32 {
      %mul3A_60 = arith.constant 2 : i32
      %mul3A_61 = arith.muli %mul3A_60, %scan3A_58 : i32
      %add3A_62 = arith.constant 0 : i32
      %add3A_63 = arith.addi %mul3A_61, %add3A_62 : i32
      %mul3A_64 = arith.constant 200 : i32
      %mul3A_65 = arith.muli %add3A_63, %mul3A_64 : i32
      %dma_wait3A_66 = tpu.memref_slice %arg12[%mul3A_65] : memref<6400xi32, #tpu.memory_space<vmem>> -> memref<200xi32, #tpu.memory_space<vmem>>
      %dma_wait3A_67 = arith.constant 0 : i32
      %dma_wait3A_68 = arith.constant 0 : i32
      %dma_wait3A_69 = tpu.memref_slice %arg7[%dma_wait3A_67, %dma_wait3A_68] : memref<8192x256xf32, #tpu.memory_space<hbm>> -> memref<8192x256xf32, #tpu.memory_space<hbm>>
      tpu.wait_indirect_dma semaphore(%arg16 : memref<!tpu.dma_semaphore, #tpu.memory_space<semaphore_mem>>) src(%dma_wait3A_69 : memref<8192x256xf32, #tpu.memory_space<hbm>>) dst(%arg13 : memref<200x256xf32, #tpu.memory_space<vmem>>)
      %add3A_70 = arith.constant 0 : i32
      %add3A_71 = arith.addi %mul3A_61, %add3A_70 : i32
      %mul3A_72 = arith.constant 200 : i32
      %mul3A_73 = arith.muli %add3A_71, %mul3A_72 : i32
      %add3A_74 = arith.addi %mul3A_2, %mul3A_73 : i32
      %dma_start3A_75 = arith.constant 0 : i32
      %dma_start3A_76 = tpu.memref_slice %arg6[%add3A_74, %dma_start3A_75] : memref<204800x256xf32, #tpu.memory_space<hbm>> -> memref<200x256xf32, #tpu.memory_space<hbm>>
      %dma_start3A_77 = arith.constant 0 : i32
      %dma_start3A_78 = tpu.memref_slice %arg6[%add3A_74, %dma_start3A_77] : memref<204800x256xf32, #tpu.memory_space<hbm>> -> memref<200x256xf32, #tpu.memory_space<hbm>>
      tpu.enqueue_dma source(%arg13 : memref<200x256xf32, #tpu.memory_space<vmem>>) target(%dma_start3A_78 : memref<200x256xf32, #tpu.memory_space<hbm>>) target_semaphore(%arg18 : memref<!tpu.dma_semaphore, #tpu.memory_space<semaphore_mem>>)
      %add3A_79 = arith.constant 1 : i32
      %add3A_80 = arith.addi %mul3A_61, %add3A_79 : i32
      %mul3A_81 = arith.constant 200 : i32
      %mul3A_82 = arith.muli %add3A_80, %mul3A_81 : i32
      %dma_wait3A_83 = tpu.memref_slice %arg12[%mul3A_82] : memref<6400xi32, #tpu.memory_space<vmem>> -> memref<200xi32, #tpu.memory_space<vmem>>
      %dma_wait3A_84 = arith.constant 0 : i32
      %dma_wait3A_85 = arith.constant 0 : i32
      %dma_wait3A_86 = tpu.memref_slice %arg7[%dma_wait3A_84, %dma_wait3A_85] : memref<8192x256xf32, #tpu.memory_space<hbm>> -> memref<8192x256xf32, #tpu.memory_space<hbm>>
      tpu.wait_indirect_dma semaphore(%arg17 : memref<!tpu.dma_semaphore, #tpu.memory_space<semaphore_mem>>) src(%dma_wait3A_86 : memref<8192x256xf32, #tpu.memory_space<hbm>>) dst(%arg14 : memref<200x256xf32, #tpu.memory_space<vmem>>)
      %add3A_87 = arith.constant 1 : i32
      %add3A_88 = arith.addi %mul3A_61, %add3A_87 : i32
      %mul3A_89 = arith.constant 200 : i32
      %mul3A_90 = arith.muli %add3A_88, %mul3A_89 : i32
      %add3A_91 = arith.addi %mul3A_2, %mul3A_90 : i32
      %dma_start3A_92 = arith.constant 0 : i32
      %dma_start3A_93 = tpu.memref_slice %arg6[%add3A_91, %dma_start3A_92] : memref<204800x256xf32, #tpu.memory_space<hbm>> -> memref<200x256xf32, #tpu.memory_space<hbm>>
      %dma_start3A_94 = arith.constant 0 : i32
      %dma_start3A_95 = tpu.memref_slice %arg6[%add3A_91, %dma_start3A_94] : memref<204800x256xf32, #tpu.memory_space<hbm>> -> memref<200x256xf32, #tpu.memory_space<hbm>>
      tpu.enqueue_dma source(%arg14 : memref<200x256xf32, #tpu.memory_space<vmem>>) target(%dma_start3A_95 : memref<200x256xf32, #tpu.memory_space<hbm>>) target_semaphore(%arg19 : memref<!tpu.dma_semaphore, #tpu.memory_space<semaphore_mem>>)
      %add3A_96 = arith.constant 0 : i32
      %add3A_97 = arith.addi %mul3A_61, %add3A_96 : i32
      %mul3A_98 = arith.constant 200 : i32
      %mul3A_99 = arith.muli %add3A_97, %mul3A_98 : i32
      %add3A_100 = arith.addi %mul3A_2, %mul3A_99 : i32
      %dma_wait3A_101 = arith.constant 0 : i32
      %dma_wait3A_102 = tpu.memref_slice %arg6[%add3A_100, %dma_wait3A_101] : memref<204800x256xf32, #tpu.memory_space<hbm>> -> memref<200x256xf32, #tpu.memory_space<hbm>>
      %dma_wait3A_103 = arith.constant 0 : i32
      %dma_wait3A_104 = tpu.memref_slice %arg6[%add3A_100, %dma_wait3A_103] : memref<204800x256xf32, #tpu.memory_space<hbm>> -> memref<200x256xf32, #tpu.memory_space<hbm>>
      tpu.wait_dma2 semaphore(%arg18 : memref<!tpu.dma_semaphore, #tpu.memory_space<semaphore_mem>>) src(%arg13 : memref<200x256xf32, #tpu.memory_space<vmem>>) dst(%dma_wait3A_104 : memref<200x256xf32, #tpu.memory_space<hbm>>)
      %add3A_105 = arith.constant 0 : i32
      %add3A_106 = arith.addi %mul3A_61, %add3A_105 : i32
      %add3A_107 = arith.constant 2 : i32
      %add3A_108 = arith.addi %add3A_106, %add3A_107 : i32
      %lt3A = arith.constant 32 : i32
      %lt3A_109 = arith.cmpi slt, %add3A_108, %lt3A : i32
      %convert_element_type3A = arith.extui %lt3A_109 : i1 to i32
      %cond3A = arith.constant 0 : i32
      %cond3A_110 = arith.cmpi ne, %convert_element_type3A, %cond3A : i32
      scf.if %cond3A_110 {
        %add3A_130 = arith.constant 0 : i32
        %add3A_131 = arith.addi %mul3A_61, %add3A_130 : i32
        %add3A_132 = arith.constant 2 : i32
        %add3A_133 = arith.addi %add3A_131, %add3A_132 : i32
        %mul3A_134 = arith.constant 200 : i32
        %mul3A_135 = arith.muli %add3A_133, %mul3A_134 : i32
        %dma_start3A_136 = tpu.memref_slice %arg12[%mul3A_135] : memref<6400xi32, #tpu.memory_space<vmem>> -> memref<200xi32, #tpu.memory_space<vmem>>
        %dma_start3A_137 = arith.constant 0 : i32
        %dma_start3A_138 = arith.constant 0 : i32
        %dma_start3A_139 = tpu.memref_slice %arg7[%dma_start3A_137, %dma_start3A_138] : memref<8192x256xf32, #tpu.memory_space<hbm>> -> memref<8192x256xf32, #tpu.memory_space<hbm>>
        tpu.enqueue_indirect_dma source(%dma_start3A_139 : memref<8192x256xf32, #tpu.memory_space<hbm>>) target(%arg13 : memref<200x256xf32, #tpu.memory_space<vmem>>) offsets(%dma_start3A_136 : memref<200xi32, #tpu.memory_space<vmem>>) semaphore(%arg16 : memref<!tpu.dma_semaphore, #tpu.memory_space<semaphore_mem>>)
      } else {
      }
      %add3A_111 = arith.constant 1 : i32
      %add3A_112 = arith.addi %mul3A_61, %add3A_111 : i32
      %mul3A_113 = arith.constant 200 : i32
      %mul3A_114 = arith.muli %add3A_112, %mul3A_113 : i32
      %add3A_115 = arith.addi %mul3A_2, %mul3A_114 : i32
      %dma_wait3A_116 = arith.constant 0 : i32
      %dma_wait3A_117 = tpu.memref_slice %arg6[%add3A_115, %dma_wait3A_116] : memref<204800x256xf32, #tpu.memory_space<hbm>> -> memref<200x256xf32, #tpu.memory_space<hbm>>
      %dma_wait3A_118 = arith.constant 0 : i32
      %dma_wait3A_119 = tpu.memref_slice %arg6[%add3A_115, %dma_wait3A_118] : memref<204800x256xf32, #tpu.memory_space<hbm>> -> memref<200x256xf32, #tpu.memory_space<hbm>>
      tpu.wait_dma2 semaphore(%arg19 : memref<!tpu.dma_semaphore, #tpu.memory_space<semaphore_mem>>) src(%arg14 : memref<200x256xf32, #tpu.memory_space<vmem>>) dst(%dma_wait3A_119 : memref<200x256xf32, #tpu.memory_space<hbm>>)
      %add3A_120 = arith.constant 1 : i32
      %add3A_121 = arith.addi %mul3A_61, %add3A_120 : i32
      %add3A_122 = arith.constant 2 : i32
      %add3A_123 = arith.addi %add3A_121, %add3A_122 : i32
      %lt3A_124 = arith.constant 32 : i32
      %lt3A_125 = arith.cmpi slt, %add3A_123, %lt3A_124 : i32
      %convert_element_type3A_126 = arith.extui %lt3A_125 : i1 to i32
      %cond3A_127 = arith.constant 0 : i32
      %cond3A_128 = arith.cmpi ne, %convert_element_type3A_126, %cond3A_127 : i32
      scf.if %cond3A_128 {
        %add3A_130 = arith.constant 1 : i32
        %add3A_131 = arith.addi %mul3A_61, %add3A_130 : i32
        %add3A_132 = arith.constant 2 : i32
        %add3A_133 = arith.addi %add3A_131, %add3A_132 : i32
        %mul3A_134 = arith.constant 200 : i32
        %mul3A_135 = arith.muli %add3A_133, %mul3A_134 : i32
        %dma_start3A_136 = tpu.memref_slice %arg12[%mul3A_135] : memref<6400xi32, #tpu.memory_space<vmem>> -> memref<200xi32, #tpu.memory_space<vmem>>
        %dma_start3A_137 = arith.constant 0 : i32
        %dma_start3A_138 = arith.constant 0 : i32
        %dma_start3A_139 = tpu.memref_slice %arg7[%dma_start3A_137, %dma_start3A_138] : memref<8192x256xf32, #tpu.memory_space<hbm>> -> memref<8192x256xf32, #tpu.memory_space<hbm>>
        tpu.enqueue_indirect_dma source(%dma_start3A_139 : memref<8192x256xf32, #tpu.memory_space<hbm>>) target(%arg14 : memref<200x256xf32, #tpu.memory_space<vmem>>) offsets(%dma_start3A_136 : memref<200xi32, #tpu.memory_space<vmem>>) semaphore(%arg17 : memref<!tpu.dma_semaphore, #tpu.memory_space<semaphore_mem>>)
      } else {
      }
      %scan3A_129 = arith.constant 0 : i32
      scf.yield %scan3A_129 : i32
    }
    %scan3A_57 = arith.constant 16 : i32
    return
  }
}

</mosaic_0001>

<sc_bundles>
// kernel: kernel.3.cloned.1.call-start
scs
__scs_entry_jumppad:
0x0: {  	(pc) =	sbr.rel $0x88, $3  }
0x1: {  	(tag) =	ssettag $0x0;
	lr =	simm.s32 $0x1  }
0x2: {  	[smem:$0x3F9D] =	sst lr;
	_ =	strace $0xD0000000  }
0x3: {  	_ = 	snop  }
0x4: {  	_ = 	snop  }
0x5: {  	_ = 	snop  }
0x6: {  	_ = 	snop  }
0x7: {  	_ = 	snop  }
__scs_overlays_trampoline_lowered:
0x8: {  	[smem:$0x3FAC] =	sst s0  }
0x9: {  	[smem:$0x3FAD] =	sst s1  }
0xa: {  	[smem:$0x3FAE] =	sst s2  }
0xb: {  	[smem:$0x3FAF] =	sst s3  }
0xc: {  	[smem:$0x3FB0] =	sst s4  }
0xd: {  	[smem:$0x3FB1] =	sst s5  }
0xe: {  	[smem:$0x3FB2] =	sst s6  }
0xf: {  	[smem:$0x3FB3] =	sst s7  }
0x10: {  	[smem:$0x3FB4] =	sst s8  }
0x11: {  	[smem:$0x3FB5] =	sst s9;
	s0 =	simm.s32 @!p0 $0x0  }
0x12: {  	s1 =	sld [smem:$0x3F9B];
	s0 =	simm.s32 @p0 $0x1  }
0x13: {  	[smem:$0x3FB6] =	sst s0;
	s0 =	simm.s32 @!p1 $0x0  }
0x14: {  	s2 =	sld [smem:$0x3F9A];
	s0 =	simm.s32 @p1 $0x1  }
0x15: {  	[smem:$0x3FB7] =	sst s0;
	s0 =	simm.s32 @!p2 $0x0  }
0x16: {  	s3 =	sld [smem:$0x3FDB];
	s0 =	simm.s32 @p2 $0x1  }
0x17: {  	s4 =	simm.s32 $0x1BF5;
	[smem:$0x3FB9] =	sst s0  }
0x18: {  	s0 =	sld [smem:$0x3F9C];
	_ =	swait.ge [sflag:s4], $0x0  }
0x19: {  	s7 =	sld [smem:$0x3F9D]  }
0x1a: {  	s8 =	sadd.s32 $0xFFFFE003, lr  }
0x1b: {  	s9 =	sadd.s32 $0xFFFFFEF7, lr;
	s5 =	simm.s32 $0xFFFFFFFF;
	p2 =	slt.u32 s8, $0xFFFFF086  }
0x1c: {  	p1 =	slt.u32 s9, $0xF7A;
	s5 =	simm.s32 @!p2 $0x0  }
0x1d: {  	s5 =	simm.s32 @p1 $0x1;
	p0 =	seq.s32 s7, s2  }
0x1e: {  	s7 =	smul.u32 @!p0 $0xF7A, s2;
	p2 =	seq.s32 @!p0 s5, $0x0  }
0x1f: {  	s9 =	smul.u32 $0xF7A, s1;
	s8 =	simm.s32 @!p0 $0x1BF5;
	p2 =	por !p2, p0  }
0x20: {  	[sflag:s8] =	ssyncset.s32 @!p0 $0xFFFFF086;
	s6 =	sadd.s32 @!p0 s3, s7;
	s7 =	simm.s32 @!p0 $0x108  }
0x21: {  	s3 =	sadd.s32 s3, s9;
	s6 =	sadd.s32 @!p0 $0x88, s6;
	s7 =	simm.s32 @p2 $0x1082  }
0x22: {  	[simem:s7], [sflag:s8] =	dma.local @!p0 [hbm:s6], $0xF7A  }
0x23: {  	s9 =	sor.u32 $0xD0000000, s2;
	s6 =	simm.s32 $0x108;
	_ =	swait.ge @!p0 [sflag:s8], $0x0  }
0x24: {  	s3 =	sadd.s32 $0x88, s3;
	s6 =	simm.s32 @!p1 $0x1082;
	[sflag:s4] =	ssyncset.s32 $0xFFFFF086  }
0x25: {  	[simem:s6], [sflag:s4] =	dma.local [hbm:s3], $0xF7A  }
0x26: {  	[smem:$0x3F9D] =	sst s1;
	(tag) =	ssettag s2;
	_ =	strace s9  }
0x27: {  	s1 =	sld [smem:$0x3FAD]  }
0x28: {  	s2 =	sld [smem:$0x3FAE]  }
0x29: {  	s4 =	sld [smem:$0x3FB0]  }
0x2a: {  	p0 =	seq.s32 s5, $0x0;
	s5 =	sld [smem:$0x3FB1]  }
0x2b: {  	s6 =	sld [smem:$0x3FB2]  }
0x2c: {  	s7 =	sld [smem:$0x3FB3]  }
0x2d: {  	s3 =	simm.s32 $0x108;
	s8 =	sld [smem:$0x3FB4]  }
0x2e: {  	s3 =	simm.s32 @!p0 $0x1082;
	s9 =	sld [smem:$0x3FB5]  }
0x2f: {  	lr =	sadd.s32 s0, s3;
	s0 =	sld [smem:$0x3FAC]  }
0x30: {  	s3 =	sld [smem:$0x3FAF]  }
0x31: {  	[smem:$0x3FB8] =	sst s10  }
0x32: {  	s10 =	sld [smem:$0x3FB6];
	_ =	sdelay $0x3  }
0x33: {  	p0 =	seq.s32 s10, $0x1;
	s10 =	sld [smem:$0x3FB8];
	_ =	sdelay $0x3  }
0x34: {  	[smem:$0x3FB8] =	sst s10  }
0x35: {  	s10 =	sld [smem:$0x3FB7];
	_ =	sdelay $0x3  }
0x36: {  	p1 =	seq.s32 s10, $0x1;
	s10 =	sld [smem:$0x3FB8];
	_ =	sdelay $0x3  }
0x37: {  	[smem:$0x3FB8] =	sst s10  }
0x38: {  	s10 =	sld [smem:$0x3FB9]  }
0x39: {  	_ = 	snop;
	(pc) =	sbr.ind lr, $3  }
0x3a: {  	_ = 	snop  }
0x3b: {  	_ = 	snop  }
0x3c: {  	p2 =	seq.s32 s10, $0x1;
	s10 =	sld [smem:$0x3FB8]  }
0x3d: {  	_ =	shalt  }
0x3e: {  	_ =	shalt  }
0x3f: {  	_ =	shalt  }
0x40: {  	_ =	shalt  }
0x41: {  	_ =	shalt  }
0x42: {  	_ =	shalt  }
0x43: {  	_ =	shalt  }
0x44: {  	_ =	shalt  }
0x45: {  	_ =	shalt  }
0x46: {  	_ =	shalt  }
0x47: {  	_ =	shalt  }
0x48: {  	_ =	shalt  }
0x49: {  	_ =	shalt  }
0x4a: {  	_ =	shalt  }
0x4b: {  	_ =	shalt  }
0x4c: {  	_ =	shalt  }
0x4d: {  	_ =	shalt  }
0x4e: {  	_ =	shalt  }
0x4f: {  	_ =	shalt  }
0x50: {  	_ =	shalt  }
0x51: {  	_ =	shalt  }
0x52: {  	_ =	shalt  }
0x53: {  	_ =	shalt  }
0x54: {  	_ =	shalt  }
0x55: {  	_ =	shalt  }
0x56: {  	_ =	shalt  }
0x57: {  	_ =	shalt  }
0x58: {  	_ =	shalt  }
0x59: {  	_ =	shalt  }
0x5a: {  	_ =	shalt  }
0x5b: {  	_ =	shalt  }
0x5c: {  	_ =	shalt  }
0x5d: {  	_ =	shalt  }
0x5e: {  	_ =	shalt  }
0x5f: {  	_ =	shalt  }
0x60: {  	_ =	shalt  }
0x61: {  	_ =	shalt  }
0x62: {  	_ =	shalt  }
0x63: {  	_ =	shalt  }
0x64: {  	_ =	shalt  }
0x65: {  	_ =	shalt  }
0x66: {  	_ =	shalt  }
0x67: {  	_ =	shalt  }
0x68: {  	_ =	shalt  }
0x69: {  	_ =	shalt  }
0x6a: {  	_ =	shalt  }
0x6b: {  	_ =	shalt  }
0x6c: {  	_ =	shalt  }
0x6d: {  	_ =	shalt  }
0x6e: {  	_ =	shalt  }
0x6f: {  	_ =	shalt  }
0x70: {  	_ =	shalt  }
0x71: {  	_ =	shalt  }
0x72: {  	_ =	shalt  }
0x73: {  	_ =	shalt  }
0x74: {  	_ =	shalt  }
0x75: {  	_ =	shalt  }
0x76: {  	_ =	shalt  }
0x77: {  	_ =	shalt  }
0x78: {  	_ =	shalt  }
0x79: {  	_ =	shalt  }
0x7a: {  	_ =	shalt  }
0x7b: {  	_ =	shalt  }
0x7c: {  	_ =	shalt  }
0x7d: {  	_ =	shalt  }
0x7e: {  	_ =	shalt  }
0x7f: {  	_ =	shalt  }
0x80: {  	_ =	shalt  }
0x81: {  	_ =	shalt  }
0x82: {  	_ =	shalt  }
0x83: {  	_ =	shalt  }
0x84: {  	_ =	shalt  }
0x85: {  	_ =	shalt  }
0x86: {  	_ =	shalt  }
0x87: {  	_ =	shalt  }
.Lfunc_end0:
.L_simem_size_0:
called_computation_lowered:
.L_overlay_start_0:
0x88: {  	s2 =	sld [smem:$0x3FD9]  }
0x89: {  	s3 =	sld [smem:$0x3FFE];
	_ =	sdelay $0x1  }
0x8a: {  	s1 =	srdreg.scid  }
0x8b: {  	s0 =	sand.u32 $0x1, s1  }
0x8c: {  	s17 =	sshll.u32 s0, $0xA;
	s2 =	sadd.s32 s3, s2  }
0x8d: {  	s2 =	sadd.s32 s2, s17  }
0x8e: {  	[smem:$0x3FC4] =	sst s2  }
0x8f: {  	_ = 	snop  }
0x90: {  	s2 =	sld [smem:$0x3FC8]  }
0x91: {  	s18 =	sld [smem:$0x3FD0];
	(tm) =	ssettm $0x1  }
0x92: {  	s4 =	sld [smem:$0x3FFB];
	_ =	sdelay $0x3  }
0x93: {  	_ =	strace s4  }
0x94: {  	s4 =	sld [smem:$0x3FFC];
	_ =	sdelay $0x3  }
0x95: {  	_ =	strace s4  }
0x96: {  	s4 =	sld [smem:$0x3FFD];
	_ =	sdelay $0x3  }
0x97: {  	_ =	strace s4  }
0x98: {  	_ =	strace $0x8FFFFFFF  }
0x99: {  	s19 =	sld [smem:$0x3FDB];
	_ =	sdelay $0x1  }
0x9a: {  	s5 =	simm.s32 $_scs_section_size  }
0x9b: {  	s6 =	simm.s32 $_size__tile_overlayer_lowered;
	s7 =	simm.s32 $_tile_overlayer_lowered  }
0x9c: {  	s22 =	simm.s32 $0x1BFF;
	s21 =	sshll.u32 s7, $0x1;
	s4 =	sadd.s32 s5, s19  }
0x9d: {  	s8 =	simm.s32 $0x0;
	s20 =	sshll.u32 s6, $0x1;
	s6 =	sadd.s32 s21, s4  }
0x9e: {  	[timem:s8], [sflag:s22] =	dma.local [hbm:s6], s20  }
0x9f: {  	_ =	swait.ge [sflag:s22], s20  }
0xa0: {  	s5 =	ssub.s32 $0x0, s20;
	[sflag:s22] =	ssyncset.done $0x0  }
0xa1: {  	[sflag:s22] =	ssyncadd.s32 s5;
	_ =	sdelay $0x1  }
0xa2: {  	s23 =	simm.s32 $0x1B8B  }
0xa3: {  	_ =	swait.ge [sflag:s23], $0x1  }
0xa4: {  	[sflag:s23] =	ssyncset.done $0x0  }
0xa5: {  	s25 =	simm.s32 $0x1B8E;
	s24 =	sld [smem:$0x3FFE];
	[sflag:s23] =	ssyncadd.s32 $0xFFFFFFFF  }
0xa6: {  	s26 =	simm.s32 $execute0_lowered;
	[smem:$0x3FD2] =	sst s25  }
0xa7: {  	s6 =	sshll.u32 s26, $0x1;
	_ =	strace $0x80000046;
	[dreg:$0x1] =	wrdreg $0xFFFFFFFF  }
0xa8: {  	s28 =	simm.s32 $_size_execute0_lowered;
	s4 =	sadd.s32 s4, s6;
	[dreg:$0x0] =	wrdreg $0x0  }
0xa9: {  	s6 =	sshll.u32 s28, $0x1;
	[dreg:$0x2] =	wrdreg s4  }
0xaa: {  	[dreg:$0x3] =	wrdreg s6  }
0xab: {  	[dreg:$0x4] =	wrdreg $0xC0  }
0xac: {  	_ =	task [dreg:s8], $0x5FFFF  }
0xad: {  	[dreg:$0x1] =	wrdreg $0xFFFFFFFF  }
0xae: {  	[dreg:$0x0] =	wrdreg $0x60  }
0xaf: {  	[dreg:$0x2] =	wrdreg s2  }
0xb0: {  	[dreg:$0x3] =	wrdreg s24  }
0xb1: {  	[dreg:$0x4] =	wrdreg s18  }
0xb2: {  	[dreg:$0x5] =	wrdreg $0x9  }
0xb3: {  	_ =	task.clear_ibuf [dreg:s8], $0x6FFFF;
	_ =	strace $0x90000046  }
0xb4: {  	s29 =	simm.s32 $0x9;
	_ =	strace $0x80000048  }
0xb5: {  	_ =	swait.ge [sflag:s29], $0x1  }
0xb6: {  	[sflag:s29] =	ssyncadd.s32 $0xFFFFFFFF  }
0xb7: {  	_ =	strace $0x90000048  }
0xb8: {  	_ =	sfence  }
0xb9: {  	s30 =	sld [smem:$0x0];
	_ =	sdelay $0x2  }
0xba: {  	s31 =	sshll.u32 s1, $0xD;
	s1 =	sshrl.u32 s1, $0x2  }
0xbb: {  	s3 =	sand.u32 $0x4000, s31;
	s1 =	sadd.s32 s1, s30  }
0xbc: {  	s0 =	sor.u32 s3, s0;
	s1 =	sshll.u32 s1, $0x11  }
0xbd: {  	s0 =	sor.u32 s1, s0  }
0xbe: {  	s0 =	sadd.s32 $0x8F2B, s0  }
0xbf: {  	[sflag:s0] =	ssyncadd.remote.s32 $0x1  }
0xc0: {  	_ =	sfence.sel $0xFFFF  }
0xc1: {  	[dreg:$0x0] =	wrdreg $0xFFFFFFFF;
	(pc) =	sbr.abs _section_cstart, $3  }
0xc2: {  	[dreg:$0x1] =	wrdreg $0xFFFFFFFF  }
0xc3: {  	_ =	task.clear_ibuf [dreg:s8], $0x2FFFF;
	_ =	strace $0x9FFFFFFF  }
0xc4: {  	(tm) =	ssettm $0x7FFFFFFF  }
0xc5: {  	_ =	shalt  }
tec
execute0_lowered:
.L_overlay_start_1:
0x0: {  	(tag) =	ssettag $0x1  }
0x1: {  	s0 =	rddreg [dreg:$0x1];
	s1 =	srdreg.scid  }
0x2: {  	s10 =	stileid.u32;
	s2 =	rddreg [dreg:$0x2];
	s3 =	simm.s32 $0x0  }
0x3: {  	s11 =	simm.s32 $0x19A00;
	s12 =	simm.s32 $0x1A200;
	s13 =	simm.s32 $0x1AA00  }
0x4: {  	s14 =	simm.s32 $0x1B200;
	s15 =	simm.s32 $0x1BA00;
	s28 =	simm.s32 $0x2  }
0x5: {  	s29 =	simm.s32 $0x3;
	s30 =	simm.s32 $0x4;
	s31 =	simm.s32 $0x5  }
0x6: {  	s1 =	sand.u32 $0x1, s1;
	s4 =	sshll.u32 s10, $0x1;
	[smem:$0x7FF] =	sst s3  }
0x7: {  	s5 =	sadd.s32 $0x800, s0;
	s16 =	sadd.s32 $0xA00, s0;
	s7 =	sshll.u32 s10, $0xD  }
0x8: {  	s6 =	sadd.s32 $0x7000, s0;
	s23 =	smul.u32 $0x64000, s10;
	s10 =	simm.s32 $0x19200  }
0x9: {  	s4 =	sor.u32 s1, s4;
	_ =	strace $0x80000047;
	[dreg:$0x4] =	wrdreg s5  }
0xa: {  	[dreg:$0x5] =	wrdreg s16;
	s17 =	ssub.s32 $0x2, s1;
	s8 =	sshll.u32 s1, $0x11  }
0xb: {  	s19 =	sshll.u32 s1, $0x7;
	s1 =	smul.u32 $0x32000, s1;
	s5 =	simm.s32 $0x17A00  }
0xc: {  	s16 =	simm.s32 $0x1C200;
	s4 =	smul.u32 $0x1900, s4;
	s7 =	sor.u32 s8, s7  }
0xd: {  	s9 =	sshrl.u32 s17, $0x1;
	s2 =	sadd.s32 s23, s2;
	s7 =	sadd.s32 s6, s7  }
0xe: {  	s8 =	simm.s32 $0x18200;
	s20 =	sadd.s32 $0x400, s7;
	[dreg:$0x6] =	wrdreg s7  }
0xf: {  	s23 =	simm.s32 $0x1D200;
	s21 =	sadd.s32 $0x800, s7;
	[dreg:$0x8] =	wrdreg s20  }
0x10: {  	s18 =	ssub.s32 s17, s9;
	s22 =	sadd.s32 $0xC00, s7;
	[dreg:$0x9] =	wrdreg s21  }
0x11: {  	s17 =	sadd.s32 s1, s2;
	s24 =	sadd.s32 $0x1000, s7;
	[dreg:$0xa] =	wrdreg s22  }
0x12: {  	v0 =	vlaneseq.u32;
	s9 =	simm.s32 $0x18A00;
	s25 =	sadd.s32 $0x1400, s7;
	[dreg:$0xb] =	wrdreg s24  }
0x13: {  	vm0 =	vmmov $0xffff;
	v2 =	vor.u32 $0x10, v0;
	v3 =	vor.u32 $0x20, v0;
	s1 =	simm.s32 $0x0;
	s26 =	sadd.s32 $0x1800, s7;
	[dreg:$0xc] =	wrdreg s25  }
0x14: {  	v4 =	vor.u32 $0x30, v0;
	v5 =	vor.u32 $0x40, v0;
	v6 =	vor.u32 $0x50, v0;
	s4 =	sshrl.u32 s4, $0x3;
	s7 =	sadd.s32 $0x1C00, s7;
	[dreg:$0xd] =	wrdreg s26  }
.Ltmp0:
0x15: {  	v7 =	vor.u32 $0x60, v0;
	v8 =	vor.u32 $0x70, v0;
	v9 =	vor.u32 $0x80, v0;
	s0 =	sadd.s32 s4, s0;
	[dreg:$0xe] =	wrdreg s7;
	(pc) =	sbr.rel .LBB2_1-.Ltmp0, $4  }
0x16: {  	v10 =	vor.u32 $0x90, v0;
	v11 =	vor.u32 $0xA0, v0;
	v12 =	vor.u32 $0xB0, v0;
	s4 =	smax.u32 s18, $0x1;
	s20 =	simm.s32 $0x2000;
	s21 =	simm.s32 $0x2080  }
0x17: {  	v13 =	vor.u32 $0xC0, v0;
	v14 =	vor.u32 $0xD0, v0;
	v15 =	vor.u32 $0xE0, v0;
	s24 =	simm.s32 $0x5A00;
	s25 =	simm.s32 $0x12200;
	s7 =	simm.s32 $0x1CA00  }
0x18: {  	v16 =	vor.u32 $0xF0, v0;
	v17 =	vand.u32 $0x7, v0;
	v18 =	vshrl.u32 v0, $0x3;
	s22 =	simm.s32 $0x1DA00;
	s0 =	sadd.s32 $0xC00, s0;
	[dreg:$0xf] =	wrdreg s4  }
0x19: {  	v19 =	vor.u32 $0x8, v0;
	v18 =	vmul.u32 $0x8, v18;
	v1 =	vmov s19;
	s26 =	simm.s32 $0x1E200;
	s4 =	simm.s32 $0x6;
	[dreg:$0x7] =	wrdreg s0  }
.LBB2_8:
0x1a: {  	_ =	swait.ge [sflag:s31], $0xC800  }
0x1b: {  	s1 =	rddreg [dreg:$0x10]  }
0x1c: {  	s0 =	rddreg [dreg:$0xf];
	s1 =	sadd.s32 $0x1, s1  }
0x1d: {  	p0 =	sne.s32 s1, s0  }
.Ltmp1:
0x1e: {  	_ = 	snop;
	(pc) =	sbr.rel @!p0 .LBB2_9-.Ltmp1, $3  }
0x1f: {  	_ =	sdelay $0x1  }
0x20: {  	[sflag:s31] =	ssyncset.done $0x0  }
0x21: {  	[sflag:s31] =	ssyncadd.s32 $0xFFFF3800  }
.LBB2_1:
0x22: {  	[dreg:$0x10] =	wrdreg s1  }
0x23: {  	s0 =	rddreg [dreg:$0x7];
	s18 =	simm.s32 $0x4100  }
0x24: {  	[tilespmem:s18], [sflag:$0x1] =	stream.linear.gather [hbm4b:s0+s3], $0x1900, $0x38;
	[tilespmem:$0x1EA00] =	vst v63  }
0x25: {  	s19 =	rddreg [dreg:$0x0]  }
0x26: {  	[tilespmem:s3], [sflag:$0x6] =	stream.linear.gather [hbm4b:s19+s3], $0x2000, $0x38;
	[tilespmem:$0x1EA00] =	vst v63  }
0x27: {  	_ =	swait.ge [sflag:s4], $0x2000  }
0x28: {  	[sflag:s4] =	ssyncset.done $0x0  }
0x29: {  	s1 =	rddreg [dreg:$0x4];
	[sflag:s4] =	ssyncadd.s32 $0xFFFFE000  }
0x2a: {  	[tilespmem:s20], [sflag:$0x6] =	stream.linear.gather [hbm4b:s1+s3], $0x80, $0x38;
	[tilespmem:$0x1EA00] =	vst v63  }
0x2b: {  	_ =	swait.ge [sflag:s4], $0x80  }
0x2c: {  	[sflag:s4] =	ssyncset.done $0x0  }
0x2d: {  	v20 =	vmov s3;
	s2 =	rddreg [dreg:$0x5];
	[sflag:s4] =	ssyncadd.s32 $0xFFFFFF80  }
0x2e: {  	[tilespmem:s21], [sflag:$0x6] =	stream.linear.gather [hbm4b:s2+s3], $0x80, $0x38;
	[tilespmem:$0x1EA00] =	vst v63  }
0x2f: {  	_ =	swait.ge [sflag:s4], $0x80  }
0x30: {  	[sflag:s4] =	ssyncset.done $0x0  }
0x31: {  	[sflag:s4] =	ssyncadd.s32 $0xFFFFFF80  }
0x32: {  	v21 =	vld.idx.msk [tilespmem:v20+s21+$0x0], $0xffff;
	_ =	sdelay $0x4  }
0x33: {  	v21 =	vmul.f32 $1.000000000e+01, v21;
	_ =	sdelay $0x1  }
0x34: {  	v21 =	vtrunc.f32 v21  }
0x35: {  	v21 =	vcvt.f32.s32 v21;
	_ =	sdelay $0x1  }
0x36: {  	v22 =	vsub.s32 v0, v21  }
0x37: {  	v23 =	vshll.u32 v22, $0x3  }
0x38: {  	v24 =	vshll.u32 v20, $0x8;
	v25 =	vand.u32 $0x7F, v22;
	v23 =	vand.u32 $0x400, v23  }
0x39: {  	v26 =	vshll.u32 v20, $0x7;
	v22 =	vand.u32 $0x1800, v24;
	v24 =	vor.u32 v23, v25  }
0x3a: {  	v23 =	vand.u32 $0x380, v26;
	v24 =	vor.u32 v22, v24  }
0x3b: {  	v24 =	vor.u32 v23, v24;
	_ =	sdelay $0x2  }
0x3c: {  	v25 =	vsub.s32 v2, v21  }
0x3d: {  	v20 =	vld.idx.msk [tilespmem:v20+s20+$0x0], $0xffff;
	v26 =	vshll.u32 v25, $0x3  }
0x3e: {  	v25 =	vand.u32 $0x7F, v25;
	v26 =	vand.u32 $0x400, v26;
	v24 =	vld.idx.msk [tilespmem:v24+s3+$0x0], $0xffff  }
0x3f: {  	v25 =	vor.u32 v26, v25  }
0x40: {  	v25 =	vor.u32 v22, v25  }
0x41: {  	v25 =	vor.u32 v23, v25;
	_ =	sdelay $0x1  }
0x42: {  	s18 =	sand.u32 $0x380, s3;
	s4 =	sand.u32 $0x1800, s3;
	v24 =	vmul.f32 v24, v20  }
0x43: {  	s2 =	sor.u32 s18, s4;
	v26 =	vsub.s32 v3, v21  }
0x44: {  	v27 =	vshll.u32 v26, $0x3;
	[tilespmem:s2+$0x2100] =	vst v24  }
0x45: {  	v24 =	vand.u32 $0x7F, v26;
	v26 =	vand.u32 $0x400, v27;
	v25 =	vld.idx.msk [tilespmem:v25+s3+$0x0], $0xffff  }
0x46: {  	v24 =	vor.u32 v26, v24  }
0x47: {  	v24 =	vor.u32 v22, v24  }
0x48: {  	v24 =	vor.u32 v23, v24;
	_ =	sdelay $0x1  }
0x49: {  	v25 =	vmul.f32 v25, v20  }
0x4a: {  	v26 =	vsub.s32 v4, v21  }
0x4b: {  	v27 =	vshll.u32 v26, $0x3;
	[tilespmem:s2+$0x2110] =	vst v25  }
0x4c: {  	v25 =	vand.u32 $0x7F, v26;
	v26 =	vand.u32 $0x400, v27;
	v24 =	vld.idx.msk [tilespmem:v24+s3+$0x0], $0xffff  }
0x4d: {  	v25 =	vor.u32 v26, v25  }
0x4e: {  	v25 =	vor.u32 v22, v25  }
0x4f: {  	v25 =	vor.u32 v23, v25;
	_ =	sdelay $0x1  }
0x50: {  	v24 =	vmul.f32 v24, v20  }
0x51: {  	v26 =	vsub.s32 v5, v21  }
0x52: {  	v27 =	vshll.u32 v26, $0x3;
	[tilespmem:s2+$0x2120] =	vst v24  }
0x53: {  	v24 =	vand.u32 $0x7F, v26;
	v26 =	vand.u32 $0x400, v27;
	v25 =	vld.idx.msk [tilespmem:v25+s3+$0x0], $0xffff  }
0x54: {  	v24 =	vor.u32 v26, v24  }
0x55: {  	v24 =	vor.u32 v22, v24  }
0x56: {  	v24 =	vor.u32 v23, v24;
	_ =	sdelay $0x1  }
0x57: {  	v25 =	vmul.f32 v25, v20  }
0x58: {  	v26 =	vsub.s32 v6, v21  }
0x59: {  	v27 =	vshll.u32 v26, $0x3;
	[tilespmem:s2+$0x2130] =	vst v25  }
0x5a: {  	v25 =	vand.u32 $0x7F, v26;
	v26 =	vand.u32 $0x400, v27;
	v24 =	vld.idx.msk [tilespmem:v24+s3+$0x0], $0xffff  }
0x5b: {  	v25 =	vor.u32 v26, v25  }
0x5c: {  	v25 =	vor.u32 v22, v25  }
0x5d: {  	v25 =	vor.u32 v23, v25;
	_ =	sdelay $0x1  }
0x5e: {  	v24 =	vmul.f32 v24, v20  }
0x5f: {  	v26 =	vsub.s32 v7, v21  }
0x60: {  	v27 =	vshll.u32 v26, $0x3;
	[tilespmem:s2+$0x2140] =	vst v24  }
0x61: {  	v26 =	vand.u32 $0x7F, v26;
	v24 =	vand.u32 $0x400, v27;
	v25 =	vld.idx.msk [tilespmem:v25+s3+$0x0], $0xffff  }
0x62: {  	v24 =	vor.u32 v24, v26  }
0x63: {  	v24 =	vor.u32 v22, v24  }
0x64: {  	v24 =	vor.u32 v23, v24;
	_ =	sdelay $0x1  }
0x65: {  	v25 =	vmul.f32 v25, v20  }
0x66: {  	v26 =	vsub.s32 v8, v21  }
0x67: {  	v27 =	vshll.u32 v26, $0x3;
	[tilespmem:s2+$0x2150] =	vst v25  }
0x68: {  	v25 =	vand.u32 $0x7F, v26;
	v26 =	vand.u32 $0x400, v27;
	v24 =	vld.idx.msk [tilespmem:v24+s3+$0x0], $0xffff  }
0x69: {  	v25 =	vor.u32 v26, v25  }
0x6a: {  	v25 =	vor.u32 v22, v25  }
0x6b: {  	v25 =	vor.u32 v23, v25;
	_ =	sdelay $0x1  }
0x6c: {  	v24 =	vmul.f32 v24, v20  }
0x6d: {  	v26 =	vsub.s32 v9, v21  }
0x6e: {  	v27 =	vshll.u32 v26, $0x3;
	[tilespmem:s2+$0x2160] =	vst v24  }
0x6f: {  	v24 =	vand.u32 $0x7F, v26;
	v26 =	vand.u32 $0x400, v27;
	v25 =	vld.idx.msk [tilespmem:v25+s3+$0x0], $0xffff  }
0x70: {  	v24 =	vor.u32 v26, v24  }
0x71: {  	v24 =	vor.u32 v22, v24  }
0x72: {  	v24 =	vor.u32 v23, v24;
	_ =	sdelay $0x1  }
0x73: {  	v25 =	vmul.f32 v25, v20  }
0x74: {  	v26 =	vsub.s32 v10, v21  }
0x75: {  	v27 =	vshll.u32 v26, $0x3;
	[tilespmem:s2+$0x2170] =	vst v25  }
0x76: {  	v25 =	vand.u32 $0x7F, v26;
	v26 =	vand.u32 $0x400, v27;
	v24 =	vld.idx.msk [tilespmem:v24+s3+$0x0], $0xffff  }
0x77: {  	v25 =	vor.u32 v26, v25  }
0x78: {  	v25 =	vor.u32 v22, v25  }
0x79: {  	v25 =	vor.u32 v23, v25;
	_ =	sdelay $0x1  }
0x7a: {  	v24 =	vmul.f32 v24, v20  }
0x7b: {  	v26 =	vsub.s32 v11, v21  }
0x7c: {  	v27 =	vshll.u32 v26, $0x3;
	[tilespmem:s2+$0x2500] =	vst v24  }
0x7d: {  	v24 =	vand.u32 $0x7F, v26;
	v26 =	vand.u32 $0x400, v27;
	v25 =	vld.idx.msk [tilespmem:v25+s3+$0x0], $0xffff  }
0x7e: {  	v24 =	vor.u32 v26, v24  }
0x7f: {  	v24 =	vor.u32 v22, v24  }
0x80: {  	v24 =	vor.u32 v23, v24;
	_ =	sdelay $0x1  }
0x81: {  	v25 =	vmul.f32 v25, v20  }
0x82: {  	v26 =	vsub.s32 v12, v21  }
0x83: {  	v27 =	vshll.u32 v26, $0x3;
	[tilespmem:s2+$0x2510] =	vst v25  }
0x84: {  	v25 =	vand.u32 $0x7F, v26;
	v26 =	vand.u32 $0x400, v27;
	v24 =	vld.idx.msk [tilespmem:v24+s3+$0x0], $0xffff  }
0x85: {  	v25 =	vor.u32 v26, v25  }
0x86: {  	v25 =	vor.u32 v22, v25  }
0x87: {  	v25 =	vor.u32 v23, v25;
	_ =	sdelay $0x1  }
0x88: {  	v24 =	vmul.f32 v24, v20  }
0x89: {  	v26 =	vsub.s32 v13, v21  }
0x8a: {  	v27 =	vshll.u32 v26, $0x3;
	[tilespmem:s2+$0x2520] =	vst v24  }
0x8b: {  	v24 =	vand.u32 $0x7F, v26;
	v26 =	vand.u32 $0x400, v27;
	v25 =	vld.idx.msk [tilespmem:v25+s3+$0x0], $0xffff  }
0x8c: {  	v24 =	vor.u32 v26, v24  }
0x8d: {  	v24 =	vor.u32 v22, v24  }
0x8e: {  	v24 =	vor.u32 v23, v24;
	_ =	sdelay $0x1  }
0x8f: {  	v25 =	vmul.f32 v25, v20  }
0x90: {  	v26 =	vsub.s32 v14, v21  }
0x91: {  	v27 =	vshll.u32 v26, $0x3;
	[tilespmem:s2+$0x2530] =	vst v25  }
0x92: {  	v25 =	vand.u32 $0x7F, v26;
	v26 =	vand.u32 $0x400, v27;
	v24 =	vld.idx.msk [tilespmem:v24+s3+$0x0], $0xffff  }
0x93: {  	v25 =	vor.u32 v26, v25  }
0x94: {  	v25 =	vor.u32 v22, v25  }
0x95: {  	v25 =	vor.u32 v23, v25;
	_ =	sdelay $0x1  }
0x96: {  	v24 =	vmul.f32 v24, v20  }
0x97: {  	v26 =	vsub.s32 v15, v21  }
0x98: {  	v27 =	vshll.u32 v26, $0x3;
	[tilespmem:s2+$0x2540] =	vst v24  }
0x99: {  	v24 =	vand.u32 $0x7F, v26;
	v26 =	vand.u32 $0x400, v27;
	v25 =	vld.idx.msk [tilespmem:v25+s3+$0x0], $0xffff  }
0x9a: {  	v24 =	vor.u32 v26, v24  }
0x9b: {  	v24 =	vor.u32 v22, v24  }
0x9c: {  	v24 =	vor.u32 v23, v24;
	_ =	sdelay $0x1  }
0x9d: {  	v25 =	vmul.f32 v25, v20  }
0x9e: {  	v21 =	vsub.s32 v16, v21  }
0x9f: {  	v26 =	vshll.u32 v21, $0x3;
	[tilespmem:s2+$0x2550] =	vst v25  }
0xa0: {  	v21 =	vand.u32 $0x7F, v21;
	v25 =	vand.u32 $0x400, v26;
	v24 =	vld.idx.msk [tilespmem:v24+s3+$0x0], $0xffff  }
0xa1: {  	v21 =	vor.u32 v25, v21  }
0xa2: {  	v21 =	vor.u32 v22, v21  }
0xa3: {  	v21 =	vor.u32 v23, v21;
	_ =	sdelay $0x1  }
0xa4: {  	v22 =	vmul.f32 v24, v20;
	_ =	sdelay $0x1  }
0xa5: {  	[tilespmem:s2+$0x2560] =	vst v22  }
0xa6: {  	v22 =	vld.idx.msk [tilespmem:v21+s3+$0x0], $0xffff;
	_ =	sdelay $0x1  }
0xa7: {  	s19 =	simm.s32 $0x1  }
0xa8: {  	v24 =	vmov s19;
	_ =	sdelay $0x1  }
0xa9: {  	s0 =	simm.s32 $0x0;
	s1 =	simm.s32 $0x0;
	s18 =	simm.s32 $0x2;
	v25 =	vshll.u32 v24, $0x7;
	v21 =	vshll.u32 v24, $0x8;
	v20 =	vmul.f32 v22, v20  }
.LBB2_2:
0xaa: {  	s0 =	sadd.s32 $0x80, s0  }
0xab: {  	s1 =	sadd.s32 $0x100, s1;
	s4 =	smov.u32 s18;
	s19 =	sadd.s32 $0x1, s18;
	[tilespmem:s2+$0x2570] =	vst v20  }
0xac: {  	p0 =	sne.s32 s18, $0x18;
	v20 =	vld.idx.msk [tilespmem:v24+s21+$0x0], $0xffff;
	_ =	sdelay $0x5  }
0xad: {  	v20 =	vmul.f32 $1.000000000e+01, v20;
	_ =	sdelay $0x1  }
0xae: {  	v20 =	vtrunc.f32 v20  }
0xaf: {  	v23 =	vcvt.f32.s32 v20;
	_ =	sdelay $0x1  }
0xb0: {  	v20 =	vsub.s32 v0, v23;
	v22 =	vsub.s32 v2, v23;
	v26 =	vsub.s32 v3, v23  }
0xb1: {  	v27 =	vshll.u32 v20, $0x3;
	v28 =	vand.u32 $0x7F, v22;
	v22 =	vshll.u32 v22, $0x3  }
0xb2: {  	v20 =	vand.u32 $0x7F, v20;
	v27 =	vand.u32 $0x400, v27;
	v22 =	vand.u32 $0x400, v22  }
0xb3: {  	v21 =	vand.u32 $0x1800, v21;
	v20 =	vor.u32 v27, v20;
	v27 =	vor.u32 v22, v28  }
0xb4: {  	v22 =	vand.u32 $0x380, v25;
	v20 =	vor.u32 v21, v20;
	v25 =	vor.u32 v21, v27  }
0xb5: {  	v28 =	vsub.s32 v4, v23;
	v27 =	vor.u32 v22, v20;
	v20 =	vshll.u32 v26, $0x3  }
0xb6: {  	v29 =	vshll.u32 v28, $0x3;
	v26 =	vand.u32 $0x7F, v26;
	v20 =	vand.u32 $0x400, v20  }
0xb7: {  	v20 =	vor.u32 v20, v26;
	v26 =	vand.u32 $0x7F, v28;
	v28 =	vand.u32 $0x400, v29  }
0xb8: {  	v29 =	vor.u32 v21, v20;
	v26 =	vor.u32 v28, v26;
	v28 =	vsub.s32 v5, v23  }
0xb9: {  	v26 =	vor.u32 v21, v26;
	v20 =	vld.idx.msk [tilespmem:v24+s20+$0x0], $0xffff;
	v24 =	vor.u32 v22, v29;
	v29 =	vshll.u32 v28, $0x3  }
0xba: {  	v26 =	vor.u32 v22, v26;
	v28 =	vand.u32 $0x7F, v28;
	v27 =	vld.idx.msk [tilespmem:v27+s3+$0x0], $0xffff;
	v29 =	vand.u32 $0x400, v29  }
0xbb: {  	v30 =	vsub.s32 v7, v23;
	v28 =	vor.u32 v29, v28;
	v29 =	vsub.s32 v6, v23  }
0xbc: {  	v28 =	vor.u32 v21, v28;
	v31 =	vand.u32 $0x7F, v29;
	v29 =	vshll.u32 v29, $0x3  }
0xbd: {  	v32 =	vshll.u32 v30, $0x3;
	v28 =	vor.u32 v22, v28;
	v29 =	vand.u32 $0x400, v29  }
0xbe: {  	v25 =	vor.u32 v22, v25;
	v29 =	vor.u32 v29, v31;
	v31 =	vand.u32 $0x400, v32  }
0xbf: {  	v30 =	vand.u32 $0x7F, v30;
	v32 =	vsub.s32 v8, v23;
	v29 =	vor.u32 v21, v29  }
0xc0: {  	s2 =	sand.u32 $0x1800, s1;
	s18 =	sand.u32 $0x380, s0;
	v27 =	vmul.f32 v27, v20;
	v30 =	vor.u32 v31, v30;
	v29 =	vor.u32 v22, v29  }
0xc1: {  	s2 =	sor.u32 s18, s2;
	v33 =	vsub.s32 v9, v23;
	v31 =	vshll.u32 v32, $0x3;
	v30 =	vor.u32 v21, v30  }
0xc2: {  	v31 =	vand.u32 $0x400, v31;
	[tilespmem:s2+$0x2100] =	vst v27;
	v27 =	vor.u32 v22, v30;
	v30 =	vand.u32 $0x7F, v32  }
0xc3: {  	v32 =	vsub.s32 v10, v23;
	v25 =	vld.idx.msk [tilespmem:v25+s3+$0x0], $0xffff;
	v30 =	vor.u32 v31, v30;
	v31 =	vshll.u32 v33, $0x3  }
0xc4: {  	v33 =	vand.u32 $0x7F, v33;
	v30 =	vor.u32 v21, v30;
	v31 =	vand.u32 $0x400, v31  }
0xc5: {  	v30 =	vor.u32 v22, v30;
	v31 =	vor.u32 v31, v33;
	v33 =	vshll.u32 v32, $0x3  }
0xc6: {  	v32 =	vand.u32 $0x7F, v32;
	v31 =	vor.u32 v21, v31;
	v33 =	vand.u32 $0x400, v33  }
0xc7: {  	v31 =	vor.u32 v22, v31;
	v32 =	vor.u32 v33, v32;
	v33 =	vsub.s32 v11, v23  }
0xc8: {  	v32 =	vor.u32 v21, v32;
	v34 =	vand.u32 $0x7F, v33;
	v33 =	vshll.u32 v33, $0x3  }
0xc9: {  	v25 =	vmul.f32 v25, v20;
	v32 =	vor.u32 v22, v32;
	v33 =	vand.u32 $0x400, v33  }
0xca: {  	v35 =	vsub.s32 v13, v23;
	v33 =	vor.u32 v33, v34;
	v34 =	vsub.s32 v12, v23  }
0xcb: {  	v36 =	vshll.u32 v35, $0x3;
	[tilespmem:s2+$0x2110] =	vst v25;
	v25 =	vor.u32 v21, v33;
	v33 =	vshll.u32 v34, $0x3  }
0xcc: {  	v37 =	vld.idx.msk [tilespmem:v24+s3+$0x0], $0xffff;
	v38 =	vor.u32 v22, v25;
	v24 =	vand.u32 $0x7F, v34;
	v25 =	vand.u32 $0x400, v33  }
0xcd: {  	v33 =	vand.u32 $0x400, v36;
	v24 =	vor.u32 v25, v24;
	v25 =	vand.u32 $0x7F, v35  }
0xce: {  	v24 =	vor.u32 v21, v24;
	v25 =	vor.u32 v33, v25;
	v33 =	vsub.s32 v14, v23  }
0xcf: {  	v34 =	vor.u32 v22, v24;
	v24 =	vor.u32 v21, v25;
	v25 =	vshll.u32 v33, $0x3  }
0xd0: {  	v33 =	vand.u32 $0x7F, v33;
	v24 =	vor.u32 v22, v24;
	v25 =	vand.u32 $0x400, v25  }
0xd1: {  	v35 =	vsub.s32 v16, v23;
	v25 =	vor.u32 v25, v33;
	v33 =	vsub.s32 v15, v23  }
0xd2: {  	v36 =	vmul.f32 v37, v20;
	v23 =	vor.u32 v21, v25;
	v25 =	vshll.u32 v33, $0x3  }
0xd3: {  	v33 =	vand.u32 $0x7F, v33;
	v23 =	vor.u32 v22, v23;
	v25 =	vand.u32 $0x400, v25  }
0xd4: {  	[tilespmem:s2+$0x2120] =	vst v36;
	v25 =	vor.u32 v25, v33;
	v33 =	vshll.u32 v35, $0x3  }
0xd5: {  	v35 =	vand.u32 $0x7F, v35;
	v26 =	vld.idx.msk [tilespmem:v26+s3+$0x0], $0xffff;
	v25 =	vor.u32 v21, v25;
	v33 =	vand.u32 $0x400, v33  }
0xd6: {  	v25 =	vor.u32 v22, v25;
	v33 =	vor.u32 v33, v35  }
0xd7: {  	v21 =	vor.u32 v21, v33  }
0xd8: {  	v21 =	vor.u32 v22, v21;
	_ =	sdelay $0x2  }
0xd9: {  	v22 =	vmul.f32 v26, v20;
	_ =	sdelay $0x1  }
0xda: {  	[tilespmem:s2+$0x2130] =	vst v22  }
0xdb: {  	v22 =	vld.idx.msk [tilespmem:v28+s3+$0x0], $0xffff;
	_ =	sdelay $0x5  }
0xdc: {  	v22 =	vmul.f32 v22, v20;
	_ =	sdelay $0x1  }
0xdd: {  	[tilespmem:s2+$0x2140] =	vst v22  }
0xde: {  	v22 =	vld.idx.msk [tilespmem:v29+s3+$0x0], $0xffff;
	_ =	sdelay $0x5  }
0xdf: {  	v22 =	vmul.f32 v22, v20;
	_ =	sdelay $0x1  }
0xe0: {  	[tilespmem:s2+$0x2150] =	vst v22  }
0xe1: {  	v22 =	vld.idx.msk [tilespmem:v27+s3+$0x0], $0xffff;
	_ =	sdelay $0x5  }
0xe2: {  	v22 =	vmul.f32 v22, v20;
	_ =	sdelay $0x1  }
0xe3: {  	[tilespmem:s2+$0x2160] =	vst v22  }
0xe4: {  	v22 =	vld.idx.msk [tilespmem:v30+s3+$0x0], $0xffff;
	_ =	sdelay $0x5  }
0xe5: {  	v22 =	vmul.f32 v22, v20;
	_ =	sdelay $0x1  }
0xe6: {  	[tilespmem:s2+$0x2170] =	vst v22  }
0xe7: {  	v22 =	vld.idx.msk [tilespmem:v31+s3+$0x0], $0xffff;
	_ =	sdelay $0x5  }
0xe8: {  	v22 =	vmul.f32 v22, v20;
	_ =	sdelay $0x1  }
0xe9: {  	[tilespmem:s2+$0x2500] =	vst v22  }
0xea: {  	v22 =	vld.idx.msk [tilespmem:v32+s3+$0x0], $0xffff;
	_ =	sdelay $0x5  }
0xeb: {  	v22 =	vmul.f32 v22, v20;
	_ =	sdelay $0x1  }
0xec: {  	[tilespmem:s2+$0x2510] =	vst v22  }
0xed: {  	v22 =	vld.idx.msk [tilespmem:v38+s3+$0x0], $0xffff;
	_ =	sdelay $0x5  }
0xee: {  	v22 =	vmul.f32 v22, v20;
	_ =	sdelay $0x1  }
0xef: {  	[tilespmem:s2+$0x2520] =	vst v22  }
0xf0: {  	v22 =	vld.idx.msk [tilespmem:v34+s3+$0x0], $0xffff;
	_ =	sdelay $0x5  }
0xf1: {  	v22 =	vmul.f32 v22, v20;
	_ =	sdelay $0x1  }
0xf2: {  	[tilespmem:s2+$0x2530] =	vst v22  }
0xf3: {  	v22 =	vld.idx.msk [tilespmem:v24+s3+$0x0], $0xffff;
	_ =	sdelay $0x5  }
0xf4: {  	v22 =	vmul.f32 v22, v20;
	_ =	sdelay $0x1  }
0xf5: {  	[tilespmem:s2+$0x2540] =	vst v22  }
0xf6: {  	v22 =	vld.idx.msk [tilespmem:v23+s3+$0x0], $0xffff;
	_ =	sdelay $0x5  }
0xf7: {  	v22 =	vmul.f32 v22, v20;
	_ =	sdelay $0x1  }
0xf8: {  	[tilespmem:s2+$0x2550] =	vst v22  }
0xf9: {  	v22 =	vld.idx.msk [tilespmem:v25+s3+$0x0], $0xffff;
	_ =	sdelay $0x5  }
0xfa: {  	v22 =	vmul.f32 v22, v20;
	_ =	sdelay $0x1  }
0xfb: {  	[tilespmem:s2+$0x2560] =	vst v22  }
0xfc: {  	v22 =	vld.idx.msk [tilespmem:v21+s3+$0x0], $0xffff;
	_ =	sdelay $0x1  }
.Ltmp2:
0xfd: {  	(pc) =	sbr.rel @p0 .LBB2_2-.Ltmp2, $4  }
0xfe: {  	_ = 	snop  }
0xff: {  	v24 =	vmov s4  }
0x100: {  	v25 =	vshll.u32 v24, $0x7;
	v21 =	vshll.u32 v24, $0x8  }
0x101: {  	s18 =	smov.u32 s19;
	v20 =	vmul.f32 v22, v20  }
0x102: {  	_ =	sdelay $0x2  }
0x103: {  	[tilespmem:s2+$0x2570] =	vst v20  }
0x104: {  	v20 =	vld.idx.msk [tilespmem:v24+s21+$0x0], $0xffff;
	_ =	sdelay $0x4  }
0x105: {  	v20 =	vmul.f32 $1.000000000e+01, v20;
	_ =	sdelay $0x1  }
0x106: {  	v20 =	vtrunc.f32 v20  }
0x107: {  	v22 =	vcvt.f32.s32 v20;
	_ =	sdelay $0x1  }
0x108: {  	v20 =	vsub.s32 v0, v22  }
0x109: {  	v23 =	vshll.u32 v20, $0x3  }
0x10a: {  	v26 =	vand.u32 $0x7F, v20;
	v23 =	vand.u32 $0x400, v23  }
0x10b: {  	v20 =	vand.u32 $0x1800, v21;
	v23 =	vor.u32 v23, v26  }
0x10c: {  	v21 =	vand.u32 $0x380, v25;
	v23 =	vor.u32 v20, v23  }
0x10d: {  	v25 =	vor.u32 v21, v23;
	_ =	sdelay $0x2  }
0x10e: {  	v43 =	vsub.s32 v2, v22  }
0x10f: {  	v27 =	vshll.u32 v43, $0x3;
	v23 =	vld.idx.msk [tilespmem:v24+s20+$0x0], $0xffff  }
0x110: {  	v44 =	vand.u32 $0x7F, v43;
	v45 =	vand.u32 $0x400, v27;
	v25 =	vld.idx.msk [tilespmem:v25+s3+$0x0], $0xffff  }
0x111: {  	v24 =	vor.u32 v45, v44  }
0x112: {  	v24 =	vor.u32 v20, v24  }
0x113: {  	v24 =	vor.u32 v21, v24  }
0x114: {  	s0 =	sadd.s32 $0x80, s0;
	s1 =	sadd.s32 $0x100, s1  }
0x115: {  	s1 =	sand.u32 $0x1800, s1;
	s0 =	sand.u32 $0x380, s0;
	v25 =	vmul.f32 v25, v23  }
0x116: {  	s0 =	sor.u32 s0, s1;
	v46 =	vsub.s32 v3, v22  }
0x117: {  	v47 =	vshll.u32 v46, $0x3;
	[tilespmem:s0+$0x2100] =	vst v25  }
0x118: {  	v48 =	vand.u32 $0x7F, v46;
	v49 =	vand.u32 $0x400, v47;
	v24 =	vld.idx.msk [tilespmem:v24+s3+$0x0], $0xffff  }
0x119: {  	v25 =	vor.u32 v49, v48  }
0x11a: {  	v25 =	vor.u32 v20, v25  }
0x11b: {  	v25 =	vor.u32 v21, v25;
	_ =	sdelay $0x1  }
0x11c: {  	v24 =	vmul.f32 v24, v23  }
0x11d: {  	v50 =	vsub.s32 v4, v22  }
0x11e: {  	v51 =	vshll.u32 v50, $0x3;
	[tilespmem:s0+$0x2110] =	vst v24  }
0x11f: {  	v52 =	vand.u32 $0x7F, v50;
	v53 =	vand.u32 $0x400, v51;
	v25 =	vld.idx.msk [tilespmem:v25+s3+$0x0], $0xffff  }
0x120: {  	v24 =	vor.u32 v53, v52  }
0x121: {  	v24 =	vor.u32 v20, v24  }
0x122: {  	v24 =	vor.u32 v21, v24;
	_ =	sdelay $0x1  }
0x123: {  	v25 =	vmul.f32 v25, v23  }
0x124: {  	v54 =	vsub.s32 v5, v22  }
0x125: {  	v55 =	vshll.u32 v54, $0x3;
	[tilespmem:s0+$0x2120] =	vst v25  }
0x126: {  	v56 =	vand.u32 $0x7F, v54;
	v57 =	vand.u32 $0x400, v55;
	v24 =	vld.idx.msk [tilespmem:v24+s3+$0x0], $0xffff  }
0x127: {  	v25 =	vor.u32 v57, v56  }
0x128: {  	v25 =	vor.u32 v20, v25  }
0x129: {  	v25 =	vor.u32 v21, v25;
	_ =	sdelay $0x1  }
0x12a: {  	v24 =	vmul.f32 v24, v23  }
0x12b: {  	v58 =	vsub.s32 v6, v22  }
0x12c: {  	v59 =	vshll.u32 v58, $0x3;
	[tilespmem:s0+$0x2130] =	vst v24  }
0x12d: {  	v60 =	vand.u32 $0x7F, v58;
	v61 =	vand.u32 $0x400, v59;
	v25 =	vld.idx.msk [tilespmem:v25+s3+$0x0], $0xffff  }
0x12e: {  	v24 =	vor.u32 v61, v60  }
0x12f: {  	v24 =	vor.u32 v20, v24  }
0x130: {  	v24 =	vor.u32 v21, v24;
	_ =	sdelay $0x1  }
0x131: {  	v25 =	vmul.f32 v25, v23  }
0x132: {  	v62 =	vsub.s32 v7, v22  }
0x133: {  	v63 =	vshll.u32 v62, $0x3;
	[tilespmem:s0+$0x2140] =	vst v25  }
0x134: {  	v29 =	vand.u32 $0x400, v63;
	v26 =	vand.u32 $0x7F, v62;
	v24 =	vld.idx.msk [tilespmem:v24+s3+$0x0], $0xffff  }
0x135: {  	v25 =	vor.u32 v29, v26  }
0x136: {  	v25 =	vor.u32 v20, v25  }
0x137: {  	v25 =	vor.u32 v21, v25;
	_ =	sdelay $0x1  }
0x138: {  	v24 =	vmul.f32 v24, v23  }
0x139: {  	v30 =	vsub.s32 v8, v22  }
0x13a: {  	v31 =	vshll.u32 v30, $0x3;
	[tilespmem:s0+$0x2150] =	vst v24  }
0x13b: {  	v32 =	vand.u32 $0x7F, v30;
	v33 =	vand.u32 $0x400, v31;
	v25 =	vld.idx.msk [tilespmem:v25+s3+$0x0], $0xffff  }
0x13c: {  	v24 =	vor.u32 v33, v32  }
0x13d: {  	v24 =	vor.u32 v20, v24  }
0x13e: {  	v24 =	vor.u32 v21, v24;
	_ =	sdelay $0x1  }
0x13f: {  	v25 =	vmul.f32 v25, v23  }
0x140: {  	v34 =	vsub.s32 v9, v22  }
0x141: {  	v35 =	vshll.u32 v34, $0x3;
	[tilespmem:s0+$0x2160] =	vst v25  }
0x142: {  	v36 =	vand.u32 $0x7F, v34;
	v37 =	vand.u32 $0x400, v35;
	v24 =	vld.idx.msk [tilespmem:v24+s3+$0x0], $0xffff  }
0x143: {  	v25 =	vor.u32 v37, v36  }
0x144: {  	v25 =	vor.u32 v20, v25  }
0x145: {  	v25 =	vor.u32 v21, v25;
	_ =	sdelay $0x1  }
0x146: {  	v24 =	vmul.f32 v24, v23  }
0x147: {  	v38 =	vsub.s32 v10, v22  }
0x148: {  	v39 =	vshll.u32 v38, $0x3;
	[tilespmem:s0+$0x2170] =	vst v24  }
0x149: {  	v40 =	vand.u32 $0x7F, v38;
	v41 =	vand.u32 $0x400, v39;
	v25 =	vld.idx.msk [tilespmem:v25+s3+$0x0], $0xffff  }
0x14a: {  	v24 =	vor.u32 v41, v40  }
0x14b: {  	v24 =	vor.u32 v20, v24  }
0x14c: {  	v24 =	vor.u32 v21, v24;
	_ =	sdelay $0x1  }
0x14d: {  	v25 =	vmul.f32 v25, v23  }
0x14e: {  	v42 =	vsub.s32 v11, v22  }
0x14f: {  	v43 =	vshll.u32 v42, $0x3;
	[tilespmem:s0+$0x2500] =	vst v25  }
0x150: {  	v44 =	vand.u32 $0x7F, v42;
	v45 =	vand.u32 $0x400, v43;
	v24 =	vld.idx.msk [tilespmem:v24+s3+$0x0], $0xffff  }
0x151: {  	v25 =	vor.u32 v45, v44  }
0x152: {  	v25 =	vor.u32 v20, v25  }
0x153: {  	v25 =	vor.u32 v21, v25;
	_ =	sdelay $0x1  }
0x154: {  	v24 =	vmul.f32 v24, v23  }
0x155: {  	v46 =	vsub.s32 v12, v22  }
0x156: {  	v47 =	vshll.u32 v46, $0x3;
	[tilespmem:s0+$0x2510] =	vst v24  }
0x157: {  	v48 =	vand.u32 $0x7F, v46;
	v49 =	vand.u32 $0x400, v47;
	v25 =	vld.idx.msk [tilespmem:v25+s3+$0x0], $0xffff  }
0x158: {  	v24 =	vor.u32 v49, v48  }
0x159: {  	v24 =	vor.u32 v20, v24  }
0x15a: {  	v24 =	vor.u32 v21, v24;
	_ =	sdelay $0x1  }
0x15b: {  	v25 =	vmul.f32 v25, v23  }
0x15c: {  	v50 =	vsub.s32 v13, v22  }
0x15d: {  	v51 =	vshll.u32 v50, $0x3;
	[tilespmem:s0+$0x2520] =	vst v25  }
0x15e: {  	v52 =	vand.u32 $0x7F, v50;
	v53 =	vand.u32 $0x400, v51;
	v24 =	vld.idx.msk [tilespmem:v24+s3+$0x0], $0xffff  }
0x15f: {  	v25 =	vor.u32 v53, v52  }
0x160: {  	v25 =	vor.u32 v20, v25  }
0x161: {  	v25 =	vor.u32 v21, v25;
	_ =	sdelay $0x1  }
0x162: {  	v24 =	vmul.f32 v24, v23  }
0x163: {  	v54 =	vsub.s32 v14, v22  }
0x164: {  	v55 =	vshll.u32 v54, $0x3;
	[tilespmem:s0+$0x2530] =	vst v24  }
0x165: {  	v56 =	vand.u32 $0x7F, v54;
	v57 =	vand.u32 $0x400, v55;
	v25 =	vld.idx.msk [tilespmem:v25+s3+$0x0], $0xffff  }
0x166: {  	v24 =	vor.u32 v57, v56  }
0x167: {  	v24 =	vor.u32 v20, v24  }
0x168: {  	v24 =	vor.u32 v21, v24;
	_ =	sdelay $0x1  }
0x169: {  	v25 =	vmul.f32 v25, v23  }
0x16a: {  	v58 =	vsub.s32 v15, v22  }
0x16b: {  	v59 =	vshll.u32 v58, $0x3;
	[tilespmem:s0+$0x2540] =	vst v25  }
0x16c: {  	v60 =	vand.u32 $0x7F, v58;
	v61 =	vand.u32 $0x400, v59;
	v24 =	vld.idx.msk [tilespmem:v24+s3+$0x0], $0xffff  }
0x16d: {  	v25 =	vor.u32 v61, v60  }
0x16e: {  	v25 =	vor.u32 v20, v25  }
0x16f: {  	v25 =	vor.u32 v21, v25;
	_ =	sdelay $0x1  }
0x170: {  	v24 =	vmul.f32 v24, v23  }
0x171: {  	v22 =	vsub.s32 v16, v22  }
0x172: {  	v62 =	vshll.u32 v22, $0x3;
	[tilespmem:s0+$0x2550] =	vst v24  }
0x173: {  	v22 =	vand.u32 $0x7F, v22;
	v63 =	vand.u32 $0x400, v62;
	v25 =	vld.idx.msk [tilespmem:v25+s3+$0x0], $0xffff  }
0x174: {  	v22 =	vor.u32 v63, v22  }
0x175: {  	v20 =	vor.u32 v20, v22  }
0x176: {  	v20 =	vor.u32 v21, v20;
	_ =	sdelay $0x1  }
0x177: {  	v21 =	vmul.f32 v25, v23;
	_ =	sdelay $0x1  }
0x178: {  	[tilespmem:s0+$0x2560] =	vst v21  }
0x179: {  	v20 =	vld.idx.msk [tilespmem:v20+s3+$0x0], $0xffff;
	_ =	sdelay $0x4  }
0x17a: {  	v20 =	vmul.f32 v20, v23;
	_ =	sdelay $0x1  }
0x17b: {  	s4 =	rddreg [dreg:$0x6];
	s2 =	simm.s32 $0x2100;
	[tilespmem:s0+$0x2570] =	vst v20;
	s0 =	simm.s32 $0x0  }
0x17c: {  	[hbm4b:s4+s0] =	stream.linear.scatter [tilespmem:s2], [sflag:$0x6], $0x2000, $0x38;
	[tilespmem:$0x1EA00] =	vst v63  }
0x17d: {  	s4 =	simm.s32 $0x6  }
0x17e: {  	_ =	swait.ge [sflag:s4], $0x2000  }
0x17f: {  	[sflag:s4] =	ssyncset.done $0x0  }
0x180: {  	s18 =	rddreg [dreg:$0x8];
	[sflag:s4] =	ssyncadd.s32 $0xFFFFE000  }
0x181: {  	[hbm4b:s18+s0] =	stream.linear.scatter [tilespmem:s2], [sflag:$0x6], $0x2000, $0x38;
	[tilespmem:$0x1EA00] =	vst v63  }
0x182: {  	_ =	swait.ge [sflag:s4], $0x2000  }
0x183: {  	[sflag:s4] =	ssyncset.done $0x0  }
0x184: {  	s19 =	rddreg [dreg:$0x9];
	[sflag:s4] =	ssyncadd.s32 $0xFFFFE000  }
0x185: {  	[hbm4b:s19+s0] =	stream.linear.scatter [tilespmem:s2], [sflag:$0x6], $0x2000, $0x38;
	[tilespmem:$0x1EA00] =	vst v63  }
0x186: {  	_ =	swait.ge [sflag:s4], $0x2000  }
0x187: {  	[sflag:s4] =	ssyncset.done $0x0  }
0x188: {  	s18 =	rddreg [dreg:$0xa];
	[sflag:s4] =	ssyncadd.s32 $0xFFFFE000  }
0x189: {  	[hbm4b:s18+s0] =	stream.linear.scatter [tilespmem:s2], [sflag:$0x6], $0x2000, $0x38;
	[tilespmem:$0x1EA00] =	vst v63  }
0x18a: {  	_ =	swait.ge [sflag:s4], $0x2000  }
0x18b: {  	[sflag:s4] =	ssyncset.done $0x0  }
0x18c: {  	s19 =	rddreg [dreg:$0xb];
	[sflag:s4] =	ssyncadd.s32 $0xFFFFE000  }
0x18d: {  	[hbm4b:s19+s0] =	stream.linear.scatter [tilespmem:s2], [sflag:$0x6], $0x2000, $0x38;
	[tilespmem:$0x1EA00] =	vst v63  }
0x18e: {  	_ =	swait.ge [sflag:s4], $0x2000  }
0x18f: {  	[sflag:s4] =	ssyncset.done $0x0  }
0x190: {  	s18 =	rddreg [dreg:$0xc];
	[sflag:s4] =	ssyncadd.s32 $0xFFFFE000  }
0x191: {  	[hbm4b:s18+s0] =	stream.linear.scatter [tilespmem:s2], [sflag:$0x6], $0x2000, $0x38;
	[tilespmem:$0x1EA00] =	vst v63  }
0x192: {  	_ =	swait.ge [sflag:s4], $0x2000  }
0x193: {  	[sflag:s4] =	ssyncset.done $0x0  }
0x194: {  	s19 =	rddreg [dreg:$0xd];
	[sflag:s4] =	ssyncadd.s32 $0xFFFFE000  }
0x195: {  	[hbm4b:s19+s0] =	stream.linear.scatter [tilespmem:s2], [sflag:$0x6], $0x2000, $0x38;
	[tilespmem:$0x1EA00] =	vst v63  }
0x196: {  	_ =	swait.ge [sflag:s4], $0x2000  }
0x197: {  	[sflag:s4] =	ssyncset.done $0x0  }
0x198: {  	s18 =	rddreg [dreg:$0xe];
	[sflag:s4] =	ssyncadd.s32 $0xFFFFE000  }
0x199: {  	[hbm4b:s18+s0] =	stream.linear.scatter [tilespmem:s2], [sflag:$0x6], $0x2000, $0x38;
	[tilespmem:$0x1EA00] =	vst v63  }
0x19a: {  	_ =	swait.ge [sflag:s4], $0x2000  }
0x19b: {  	[sflag:s4] =	ssyncset.done $0x0  }
0x19c: {  	s19 =	simm.s32 $0x1;
	[sflag:s4] =	ssyncadd.s32 $0xFFFFE000  }
0x19d: {  	_ =	swait.ge [sflag:s19], $0x1900  }
0x19e: {  	[sflag:s19] =	ssyncset.done $0x0  }
0x19f: {  	s1 =	simm.s32 $0x4100;
	[sflag:s19] =	ssyncadd.s32 $0xFFFFE700  }
0x1a0: {  	s2 =	simm.s32 $0x10;
	v20 =	vld [tilespmem:s1+$0x0]  }
.LBB2_4:
0x1a1: {  	p0 =	sne.s32 s2, $0x18F0;
	v21 =	vor.u32 s0, v0;
	s0 =	smov.u32 s2  }
0x1a2: {  	v21 =	vand.u32 $0x7F, v21  }
.Ltmp3:
0x1a3: {  	v21 =	vor.u32 v1, v21;
	(pc) =	sbr.rel @p0 .LBB2_4-.Ltmp3, $4  }
0x1a4: {  	v21 =	vshll.u32 v21, $0x5  }
0x1a5: {  	v20 =	vadd.s32 v21, v20  }
0x1a6: {  	[tilespmem:s1+$0x0] =	vst v20;
	s1 =	sadd.s32 $0x10, s1  }
0x1a7: {  	s2 =	sadd.s32 $0x10, s2;
	v20 =	vld [tilespmem:s1+$0x0]  }
0x1a8: {  	v21 =	vor.u32 s0, v0  }
0x1a9: {  	v21 =	vand.u32 $0x7F, v21  }
0x1aa: {  	v21 =	vor.u32 v1, v21  }
0x1ab: {  	v21 =	vshll.u32 v21, $0x5  }
0x1ac: {  	v20 =	vadd.s32 v21, v20  }
0x1ad: {  	[tilespmem:s1+$0x0] =	vst v20  }
0x1ae: {  	[bflag:$0x0] =	sbarrier.arrive $0xFFFF  }
0x1af: {  	v20 =	vld [tilespmem:$0x4100];
	_ =	sdelay $0x4  }
0x1b0: {  	v38 =	vshll.u32 v20, $0x1  }
0x1b1: {  	v20 =	vand.u32 $0x7, v20;
	v21 =	vand.u32 $0xFFFFFFF0, v38  }
0x1b2: {  	v20 =	vor.u32 v20, v21  }
0x1b3: {  	v21 =	vperm.xlane v20, v17;
	_ =	sdelay $0x1  }
0x1b4: {  	v20 =	vperm.xlane v20, v19;
	v21 =	vadd.s32 v18, v21;
	_ =	sdelay $0x1  }
0x1b5: {  	v20 =	vadd.s32 v18, v20;
	_ =	sdelay $0x1  }
0x1b6: {  	s2 =	simm.s32 $0x0  }
0x1b7: {  	[tilespmem:s24], [sflag:$0x2] =	stream.indirect_vreg.gather [hbm4b:s6+s2], $0x80, v21, vm0, $0xb8;
	[tilespmem:$0x1EA00] =	vst v63  }
0x1b8: {  	s18 =	simm.s32 $0x6200  }
0x1b9: {  	[tilespmem:s18], [sflag:$0x2] =	stream.indirect_vreg.gather [hbm4b:s6+s2], $0x80, v20, vm0, $0xb8;
	[tilespmem:$0x1EA00] =	vst v63  }
0x1ba: {  	v20 =	vld [tilespmem:$0x4110];
	_ =	sdelay $0x4  }
0x1bb: {  	v39 =	vshll.u32 v20, $0x1  }
0x1bc: {  	v20 =	vand.u32 $0x7, v20;
	v21 =	vand.u32 $0xFFFFFFF0, v39  }
0x1bd: {  	v20 =	vor.u32 v20, v21  }
0x1be: {  	v21 =	vperm.xlane v20, v17;
	_ =	sdelay $0x1  }
0x1bf: {  	v20 =	vperm.xlane v20, v19;
	v21 =	vadd.s32 v18, v21;
	_ =	sdelay $0x1  }
0x1c0: {  	v20 =	vadd.s32 v18, v20;
	_ =	sdelay $0x1  }
0x1c1: {  	s19 =	simm.s32 $0x6A00  }
0x1c2: {  	[tilespmem:s19], [sflag:$0x2] =	stream.indirect_vreg.gather [hbm4b:s6+s2], $0x80, v21, vm0, $0xb8;
	[tilespmem:$0x1EA00] =	vst v63  }
0x1c3: {  	s1 =	simm.s32 $0x7200  }
0x1c4: {  	[tilespmem:s1], [sflag:$0x2] =	stream.indirect_vreg.gather [hbm4b:s6+s2], $0x80, v20, vm0, $0xb8;
	[tilespmem:$0x1EA00] =	vst v63  }
0x1c5: {  	v20 =	vld [tilespmem:$0x4120];
	_ =	sdelay $0x4  }
0x1c6: {  	v40 =	vshll.u32 v20, $0x1  }
0x1c7: {  	v20 =	vand.u32 $0x7, v20;
	v21 =	vand.u32 $0xFFFFFFF0, v40  }
0x1c8: {  	v20 =	vor.u32 v20, v21  }
0x1c9: {  	v21 =	vperm.xlane v20, v17;
	_ =	sdelay $0x1  }
0x1ca: {  	v20 =	vperm.xlane v20, v19;
	v21 =	vadd.s32 v18, v21;
	_ =	sdelay $0x1  }
0x1cb: {  	v20 =	vadd.s32 v18, v20;
	_ =	sdelay $0x1  }
0x1cc: {  	s1 =	simm.s32 $0x7A00  }
0x1cd: {  	[tilespmem:s1], [sflag:$0x2] =	stream.indirect_vreg.gather [hbm4b:s6+s2], $0x80, v21, vm0, $0xb8;
	[tilespmem:$0x1EA00] =	vst v63  }
0x1ce: {  	s1 =	simm.s32 $0x8200  }
0x1cf: {  	[tilespmem:s1], [sflag:$0x2] =	stream.indirect_vreg.gather [hbm4b:s6+s2], $0x80, v20, vm0, $0xb8;
	[tilespmem:$0x1EA00] =	vst v63  }
0x1d0: {  	v20 =	vld [tilespmem:$0x4130];
	_ =	sdelay $0x4  }
0x1d1: {  	v41 =	vshll.u32 v20, $0x1  }
0x1d2: {  	v20 =	vand.u32 $0x7, v20;
	v21 =	vand.u32 $0xFFFFFFF0, v41  }
0x1d3: {  	v20 =	vor.u32 v20, v21  }
0x1d4: {  	v21 =	vperm.xlane v20, v17;
	_ =	sdelay $0x1  }
0x1d5: {  	v20 =	vperm.xlane v20, v19;
	v21 =	vadd.s32 v18, v21;
	_ =	sdelay $0x1  }
0x1d6: {  	v20 =	vadd.s32 v18, v20;
	_ =	sdelay $0x1  }
0x1d7: {  	s1 =	simm.s32 $0x8A00  }
0x1d8: {  	[tilespmem:s1], [sflag:$0x2] =	stream.indirect_vreg.gather [hbm4b:s6+s2], $0x80, v21, vm0, $0xb8;
	[tilespmem:$0x1EA00] =	vst v63  }
0x1d9: {  	s1 =	simm.s32 $0x9200  }
0x1da: {  	[tilespmem:s1], [sflag:$0x2] =	stream.indirect_vreg.gather [hbm4b:s6+s2], $0x80, v20, vm0, $0xb8;
	[tilespmem:$0x1EA00] =	vst v63  }
0x1db: {  	v20 =	vld [tilespmem:$0x4140];
	_ =	sdelay $0x4  }
0x1dc: {  	v42 =	vshll.u32 v20, $0x1  }
0x1dd: {  	v20 =	vand.u32 $0x7, v20;
	v21 =	vand.u32 $0xFFFFFFF0, v42  }
0x1de: {  	v20 =	vor.u32 v20, v21  }
0x1df: {  	v21 =	vperm.xlane v20, v17;
	_ =	sdelay $0x1  }
0x1e0: {  	v20 =	vperm.xlane v20, v19;
	v21 =	vadd.s32 v18, v21;
	_ =	sdelay $0x1  }
0x1e1: {  	v20 =	vadd.s32 v18, v20;
	_ =	sdelay $0x1  }
0x1e2: {  	s1 =	simm.s32 $0x9A00  }
0x1e3: {  	[tilespmem:s1], [sflag:$0x2] =	stream.indirect_vreg.gather [hbm4b:s6+s2], $0x80, v21, vm0, $0xb8;
	[tilespmem:$0x1EA00] =	vst v63  }
0x1e4: {  	s1 =	simm.s32 $0xA200  }
0x1e5: {  	[tilespmem:s1], [sflag:$0x2] =	stream.indirect_vreg.gather [hbm4b:s6+s2], $0x80, v20, vm0, $0xb8;
	[tilespmem:$0x1EA00] =	vst v63  }
0x1e6: {  	v20 =	vld [tilespmem:$0x4150];
	_ =	sdelay $0x4  }
0x1e7: {  	v43 =	vshll.u32 v20, $0x1  }
0x1e8: {  	v20 =	vand.u32 $0x7, v20;
	v21 =	vand.u32 $0xFFFFFFF0, v43  }
0x1e9: {  	v20 =	vor.u32 v20, v21  }
0x1ea: {  	v21 =	vperm.xlane v20, v17;
	_ =	sdelay $0x1  }
0x1eb: {  	v20 =	vperm.xlane v20, v19;
	v21 =	vadd.s32 v18, v21;
	_ =	sdelay $0x1  }
0x1ec: {  	v20 =	vadd.s32 v18, v20;
	_ =	sdelay $0x1  }
0x1ed: {  	s1 =	simm.s32 $0xAA00  }
0x1ee: {  	[tilespmem:s1], [sflag:$0x2] =	stream.indirect_vreg.gather [hbm4b:s6+s2], $0x80, v21, vm0, $0xb8;
	[tilespmem:$0x1EA00] =	vst v63  }
0x1ef: {  	s1 =	simm.s32 $0xB200  }
0x1f0: {  	[tilespmem:s1], [sflag:$0x2] =	stream.indirect_vreg.gather [hbm4b:s6+s2], $0x80, v20, vm0, $0xb8;
	[tilespmem:$0x1EA00] =	vst v63  }
0x1f1: {  	v20 =	vld [tilespmem:$0x4160];
	_ =	sdelay $0x4  }
0x1f2: {  	v44 =	vshll.u32 v20, $0x1  }
0x1f3: {  	v20 =	vand.u32 $0x7, v20;
	v21 =	vand.u32 $0xFFFFFFF0, v44  }
0x1f4: {  	v20 =	vor.u32 v20, v21  }
0x1f5: {  	v21 =	vperm.xlane v20, v17;
	_ =	sdelay $0x1  }
0x1f6: {  	v20 =	vperm.xlane v20, v19;
	v21 =	vadd.s32 v18, v21;
	_ =	sdelay $0x1  }
0x1f7: {  	v20 =	vadd.s32 v18, v20;
	_ =	sdelay $0x1  }
0x1f8: {  	s1 =	simm.s32 $0xBA00  }
0x1f9: {  	[tilespmem:s1], [sflag:$0x2] =	stream.indirect_vreg.gather [hbm4b:s6+s2], $0x80, v21, vm0, $0xb8;
	[tilespmem:$0x1EA00] =	vst v63  }
0x1fa: {  	s1 =	simm.s32 $0xC200  }
0x1fb: {  	[tilespmem:s1], [sflag:$0x2] =	stream.indirect_vreg.gather [hbm4b:s6+s2], $0x80, v20, vm0, $0xb8;
	[tilespmem:$0x1EA00] =	vst v63  }
0x1fc: {  	v20 =	vld [tilespmem:$0x4170];
	_ =	sdelay $0x4  }
0x1fd: {  	v45 =	vshll.u32 v20, $0x1  }
0x1fe: {  	v20 =	vand.u32 $0x7, v20;
	v21 =	vand.u32 $0xFFFFFFF0, v45  }
0x1ff: {  	v20 =	vor.u32 v20, v21  }
0x200: {  	v21 =	vperm.xlane v20, v17;
	_ =	sdelay $0x1  }
0x201: {  	v20 =	vperm.xlane v20, v19;
	v21 =	vadd.s32 v18, v21;
	_ =	sdelay $0x1  }
0x202: {  	v20 =	vadd.s32 v18, v20;
	_ =	sdelay $0x1  }
0x203: {  	s1 =	simm.s32 $0xCA00  }
0x204: {  	[tilespmem:s1], [sflag:$0x2] =	stream.indirect_vreg.gather [hbm4b:s6+s2], $0x80, v21, vm0, $0xb8;
	[tilespmem:$0x1EA00] =	vst v63  }
0x205: {  	s1 =	simm.s32 $0xD200  }
0x206: {  	[tilespmem:s1], [sflag:$0x2] =	stream.indirect_vreg.gather [hbm4b:s6+s2], $0x80, v20, vm0, $0xb8;
	[tilespmem:$0x1EA00] =	vst v63  }
0x207: {  	v20 =	vld [tilespmem:$0x4180];
	_ =	sdelay $0x4  }
0x208: {  	v46 =	vshll.u32 v20, $0x1  }
0x209: {  	v20 =	vand.u32 $0x7, v20;
	v21 =	vand.u32 $0xFFFFFFF0, v46  }
0x20a: {  	v20 =	vor.u32 v20, v21  }
0x20b: {  	v21 =	vperm.xlane v20, v17;
	_ =	sdelay $0x1  }
0x20c: {  	v20 =	vperm.xlane v20, v19;
	v21 =	vadd.s32 v18, v21;
	_ =	sdelay $0x1  }
0x20d: {  	v20 =	vadd.s32 v18, v20;
	_ =	sdelay $0x1  }
0x20e: {  	s1 =	simm.s32 $0xDA00  }
0x20f: {  	[tilespmem:s1], [sflag:$0x2] =	stream.indirect_vreg.gather [hbm4b:s6+s2], $0x80, v21, vm0, $0xb8;
	[tilespmem:$0x1EA00] =	vst v63  }
0x210: {  	s1 =	simm.s32 $0xE200  }
0x211: {  	[tilespmem:s1], [sflag:$0x2] =	stream.indirect_vreg.gather [hbm4b:s6+s2], $0x80, v20, vm0, $0xb8;
	[tilespmem:$0x1EA00] =	vst v63  }
0x212: {  	v20 =	vld [tilespmem:$0x4190];
	_ =	sdelay $0x4  }
0x213: {  	v47 =	vshll.u32 v20, $0x1  }
0x214: {  	v20 =	vand.u32 $0x7, v20;
	v21 =	vand.u32 $0xFFFFFFF0, v47  }
0x215: {  	v20 =	vor.u32 v20, v21  }
0x216: {  	v21 =	vperm.xlane v20, v17;
	_ =	sdelay $0x1  }
0x217: {  	v20 =	vperm.xlane v20, v19;
	v21 =	vadd.s32 v18, v21;
	_ =	sdelay $0x1  }
0x218: {  	v20 =	vadd.s32 v18, v20;
	_ =	sdelay $0x1  }
0x219: {  	s1 =	simm.s32 $0xEA00  }
0x21a: {  	[tilespmem:s1], [sflag:$0x2] =	stream.indirect_vreg.gather [hbm4b:s6+s2], $0x80, v21, vm0, $0xb8;
	[tilespmem:$0x1EA00] =	vst v63  }
0x21b: {  	s1 =	simm.s32 $0xF200  }
0x21c: {  	[tilespmem:s1], [sflag:$0x2] =	stream.indirect_vreg.gather [hbm4b:s6+s2], $0x80, v20, vm0, $0xb8;
	[tilespmem:$0x1EA00] =	vst v63  }
0x21d: {  	v20 =	vld [tilespmem:$0x41A0];
	_ =	sdelay $0x4  }
0x21e: {  	v48 =	vshll.u32 v20, $0x1  }
0x21f: {  	v20 =	vand.u32 $0x7, v20;
	v21 =	vand.u32 $0xFFFFFFF0, v48  }
0x220: {  	v20 =	vor.u32 v20, v21  }
0x221: {  	v21 =	vperm.xlane v20, v17;
	_ =	sdelay $0x1  }
0x222: {  	v20 =	vperm.xlane v20, v19;
	v21 =	vadd.s32 v18, v21;
	_ =	sdelay $0x1  }
0x223: {  	v20 =	vadd.s32 v18, v20;
	_ =	sdelay $0x1  }
0x224: {  	s1 =	simm.s32 $0xFA00  }
0x225: {  	[tilespmem:s1], [sflag:$0x2] =	stream.indirect_vreg.gather [hbm4b:s6+s2], $0x80, v21, vm0, $0xb8;
	[tilespmem:$0x1EA00] =	vst v63  }
0x226: {  	s1 =	simm.s32 $0x10200  }
0x227: {  	[tilespmem:s1], [sflag:$0x2] =	stream.indirect_vreg.gather [hbm4b:s6+s2], $0x80, v20, vm0, $0xb8;
	[tilespmem:$0x1EA00] =	vst v63  }
0x228: {  	v20 =	vld [tilespmem:$0x41B0];
	_ =	sdelay $0x4  }
0x229: {  	v49 =	vshll.u32 v20, $0x1  }
0x22a: {  	v20 =	vand.u32 $0x7, v20;
	v21 =	vand.u32 $0xFFFFFFF0, v49  }
0x22b: {  	v20 =	vor.u32 v20, v21  }
0x22c: {  	v21 =	vperm.xlane v20, v17;
	_ =	sdelay $0x1  }
0x22d: {  	v20 =	vperm.xlane v20, v19;
	v21 =	vadd.s32 v18, v21;
	_ =	sdelay $0x1  }
0x22e: {  	v20 =	vadd.s32 v18, v20;
	_ =	sdelay $0x1  }
0x22f: {  	s1 =	simm.s32 $0x10A00  }
0x230: {  	[tilespmem:s1], [sflag:$0x2] =	stream.indirect_vreg.gather [hbm4b:s6+s2], $0x80, v21, vm0, $0xb8;
	[tilespmem:$0x1EA00] =	vst v63  }
0x231: {  	s1 =	simm.s32 $0x11200  }
0x232: {  	[tilespmem:s1], [sflag:$0x2] =	stream.indirect_vreg.gather [hbm4b:s6+s2], $0x80, v20, vm0, $0xb8;
	[tilespmem:$0x1EA00] =	vst v63  }
0x233: {  	v20 =	vld.msk [tilespmem:$0x41C0], $0xff;
	_ =	sdelay $0x4  }
0x234: {  	v50 =	vshll.u32 v20, $0x1  }
0x235: {  	v20 =	vand.u32 $0x7, v20;
	v21 =	vand.u32 $0xFFFFFFF0, v50  }
0x236: {  	v20 =	vor.u32 v20, v21  }
0x237: {  	v20 =	vperm.xlane v20, v17;
	_ =	sdelay $0x1  }
0x238: {  	v20 =	vadd.s32 v18, v20;
	_ =	sdelay $0x3  }
0x239: {  	s1 =	simm.s32 $0x11A00  }
0x23a: {  	[tilespmem:s1], [sflag:$0x2] =	stream.indirect_vreg.gather [hbm4b:s6+s2], $0x80, v20, vm0, $0xb8;
	[tilespmem:$0x1EA00] =	vst v63  }
0x23b: {  	v20 =	vld [tilespmem:$0x41C8];
	_ =	sdelay $0x4  }
0x23c: {  	v51 =	vshll.u32 v20, $0x1  }
0x23d: {  	v20 =	vand.u32 $0x7, v20;
	v21 =	vand.u32 $0xFFFFFFF0, v51  }
0x23e: {  	v20 =	vor.u32 v20, v21  }
0x23f: {  	v21 =	vperm.xlane v20, v17;
	_ =	sdelay $0x1  }
0x240: {  	v20 =	vperm.xlane v20, v19;
	v21 =	vadd.s32 v18, v21;
	_ =	sdelay $0x1  }
0x241: {  	v20 =	vadd.s32 v18, v20;
	_ =	sdelay $0x2  }
0x242: {  	[tilespmem:s25], [sflag:$0x3] =	stream.indirect_vreg.gather [hbm4b:s6+s2], $0x80, v21, vm0, $0xb8;
	[tilespmem:$0x1EA00] =	vst v63  }
0x243: {  	s1 =	simm.s32 $0x12A00  }
0x244: {  	[tilespmem:s1], [sflag:$0x3] =	stream.indirect_vreg.gather [hbm4b:s6+s2], $0x80, v20, vm0, $0xb8;
	[tilespmem:$0x1EA00] =	vst v63  }
0x245: {  	v20 =	vld [tilespmem:$0x41D8];
	_ =	sdelay $0x4  }
0x246: {  	v52 =	vshll.u32 v20, $0x1  }
0x247: {  	v20 =	vand.u32 $0x7, v20;
	v21 =	vand.u32 $0xFFFFFFF0, v52  }
0x248: {  	v20 =	vor.u32 v20, v21  }
0x249: {  	v21 =	vperm.xlane v20, v17;
	_ =	sdelay $0x1  }
0x24a: {  	v20 =	vperm.xlane v20, v19;
	v21 =	vadd.s32 v18, v21;
	_ =	sdelay $0x1  }
0x24b: {  	v20 =	vadd.s32 v18, v20;
	_ =	sdelay $0x1  }
0x24c: {  	s1 =	simm.s32 $0x13200  }
0x24d: {  	[tilespmem:s1], [sflag:$0x3] =	stream.indirect_vreg.gather [hbm4b:s6+s2], $0x80, v21, vm0, $0xb8;
	[tilespmem:$0x1EA00] =	vst v63  }
0x24e: {  	s1 =	simm.s32 $0x13A00  }
0x24f: {  	[tilespmem:s1], [sflag:$0x3] =	stream.indirect_vreg.gather [hbm4b:s6+s2], $0x80, v20, vm0, $0xb8;
	[tilespmem:$0x1EA00] =	vst v63  }
0x250: {  	v20 =	vld [tilespmem:$0x41E8];
	_ =	sdelay $0x4  }
0x251: {  	v53 =	vshll.u32 v20, $0x1  }
0x252: {  	v20 =	vand.u32 $0x7, v20;
	v21 =	vand.u32 $0xFFFFFFF0, v53  }
0x253: {  	v20 =	vor.u32 v20, v21  }
0x254: {  	v21 =	vperm.xlane v20, v17;
	_ =	sdelay $0x1  }
0x255: {  	v20 =	vperm.xlane v20, v19;
	v21 =	vadd.s32 v18, v21;
	_ =	sdelay $0x1  }
0x256: {  	v20 =	vadd.s32 v18, v20;
	_ =	sdelay $0x1  }
0x257: {  	s1 =	simm.s32 $0x14200  }
0x258: {  	[tilespmem:s1], [sflag:$0x3] =	stream.indirect_vreg.gather [hbm4b:s6+s2], $0x80, v21, vm0, $0xb8;
	[tilespmem:$0x1EA00] =	vst v63  }
0x259: {  	s1 =	simm.s32 $0x14A00  }
0x25a: {  	[tilespmem:s1], [sflag:$0x3] =	stream.indirect_vreg.gather [hbm4b:s6+s2], $0x80, v20, vm0, $0xb8;
	[tilespmem:$0x1EA00] =	vst v63  }
0x25b: {  	v20 =	vld [tilespmem:$0x41F8];
	_ =	sdelay $0x4  }
0x25c: {  	v54 =	vshll.u32 v20, $0x1  }
0x25d: {  	v20 =	vand.u32 $0x7, v20;
	v21 =	vand.u32 $0xFFFFFFF0, v54  }
0x25e: {  	v20 =	vor.u32 v20, v21  }
0x25f: {  	v21 =	vperm.xlane v20, v17;
	_ =	sdelay $0x1  }
0x260: {  	v20 =	vperm.xlane v20, v19;
	v21 =	vadd.s32 v18, v21;
	_ =	sdelay $0x1  }
0x261: {  	v20 =	vadd.s32 v18, v20;
	_ =	sdelay $0x1  }
0x262: {  	s1 =	simm.s32 $0x15200  }
0x263: {  	[tilespmem:s1], [sflag:$0x3] =	stream.indirect_vreg.gather [hbm4b:s6+s2], $0x80, v21, vm0, $0xb8;
	[tilespmem:$0x1EA00] =	vst v63  }
0x264: {  	s1 =	simm.s32 $0x15A00  }
0x265: {  	[tilespmem:s1], [sflag:$0x3] =	stream.indirect_vreg.gather [hbm4b:s6+s2], $0x80, v20, vm0, $0xb8;
	[tilespmem:$0x1EA00] =	vst v63  }
0x266: {  	v20 =	vld [tilespmem:$0x4208];
	_ =	sdelay $0x4  }
0x267: {  	v55 =	vshll.u32 v20, $0x1  }
0x268: {  	v20 =	vand.u32 $0x7, v20;
	v21 =	vand.u32 $0xFFFFFFF0, v55  }
0x269: {  	v20 =	vor.u32 v20, v21  }
0x26a: {  	v21 =	vperm.xlane v20, v17;
	_ =	sdelay $0x1  }
0x26b: {  	v20 =	vperm.xlane v20, v19;
	v21 =	vadd.s32 v18, v21;
	_ =	sdelay $0x1  }
0x26c: {  	v20 =	vadd.s32 v18, v20;
	_ =	sdelay $0x1  }
0x26d: {  	s1 =	simm.s32 $0x16200  }
0x26e: {  	[tilespmem:s1], [sflag:$0x3] =	stream.indirect_vreg.gather [hbm4b:s6+s2], $0x80, v21, vm0, $0xb8;
	[tilespmem:$0x1EA00] =	vst v63  }
0x26f: {  	s1 =	simm.s32 $0x16A00  }
0x270: {  	[tilespmem:s1], [sflag:$0x3] =	stream.indirect_vreg.gather [hbm4b:s6+s2], $0x80, v20, vm0, $0xb8;
	[tilespmem:$0x1EA00] =	vst v63  }
0x271: {  	v20 =	vld [tilespmem:$0x4218];
	_ =	sdelay $0x4  }
0x272: {  	v56 =	vshll.u32 v20, $0x1  }
0x273: {  	v20 =	vand.u32 $0x7, v20;
	v21 =	vand.u32 $0xFFFFFFF0, v56  }
0x274: {  	v20 =	vor.u32 v20, v21  }
0x275: {  	v21 =	vperm.xlane v20, v17;
	_ =	sdelay $0x1  }
0x276: {  	v20 =	vperm.xlane v20, v19;
	v21 =	vadd.s32 v18, v21;
	_ =	sdelay $0x1  }
0x277: {  	v20 =	vadd.s32 v18, v20;
	_ =	sdelay $0x1  }
0x278: {  	s1 =	simm.s32 $0x17200  }
0x279: {  	[tilespmem:s1], [sflag:$0x3] =	stream.indirect_vreg.gather [hbm4b:s6+s2], $0x80, v21, vm0, $0xb8;
	[tilespmem:$0x1EA00] =	vst v63  }
0x27a: {  	_ = 	snop  }
0x27b: {  	[tilespmem:s5], [sflag:$0x3] =	stream.indirect_vreg.gather [hbm4b:s6+s2], $0x80, v20, vm0, $0xb8;
	[tilespmem:$0x1EA00] =	vst v63  }
0x27c: {  	v20 =	vld [tilespmem:$0x4228];
	_ =	sdelay $0x4  }
0x27d: {  	v57 =	vshll.u32 v20, $0x1  }
0x27e: {  	v20 =	vand.u32 $0x7, v20;
	v21 =	vand.u32 $0xFFFFFFF0, v57  }
0x27f: {  	v20 =	vor.u32 v20, v21  }
0x280: {  	v21 =	vperm.xlane v20, v17;
	_ =	sdelay $0x1  }
0x281: {  	v20 =	vperm.xlane v20, v19;
	v21 =	vadd.s32 v18, v21;
	_ =	sdelay $0x1  }
0x282: {  	v20 =	vadd.s32 v18, v20;
	_ =	sdelay $0x2  }
0x283: {  	[tilespmem:s8], [sflag:$0x3] =	stream.indirect_vreg.gather [hbm4b:s6+s2], $0x80, v21, vm0, $0xb8;
	[tilespmem:$0x1EA00] =	vst v63  }
0x284: {  	_ = 	snop  }
0x285: {  	[tilespmem:s9], [sflag:$0x3] =	stream.indirect_vreg.gather [hbm4b:s6+s2], $0x80, v20, vm0, $0xb8;
	[tilespmem:$0x1EA00] =	vst v63  }
0x286: {  	v20 =	vld [tilespmem:$0x4238];
	_ =	sdelay $0x4  }
0x287: {  	v58 =	vshll.u32 v20, $0x1  }
0x288: {  	v20 =	vand.u32 $0x7, v20;
	v21 =	vand.u32 $0xFFFFFFF0, v58  }
0x289: {  	v20 =	vor.u32 v20, v21  }
0x28a: {  	v21 =	vperm.xlane v20, v17;
	_ =	sdelay $0x1  }
0x28b: {  	v20 =	vperm.xlane v20, v19;
	v21 =	vadd.s32 v18, v21;
	_ =	sdelay $0x1  }
0x28c: {  	v20 =	vadd.s32 v18, v20;
	_ =	sdelay $0x2  }
0x28d: {  	[tilespmem:s10], [sflag:$0x3] =	stream.indirect_vreg.gather [hbm4b:s6+s2], $0x80, v21, vm0, $0xb8;
	[tilespmem:$0x1EA00] =	vst v63  }
0x28e: {  	_ = 	snop  }
0x28f: {  	[tilespmem:s11], [sflag:$0x3] =	stream.indirect_vreg.gather [hbm4b:s6+s2], $0x80, v20, vm0, $0xb8;
	[tilespmem:$0x1EA00] =	vst v63  }
0x290: {  	v20 =	vld [tilespmem:$0x4248];
	_ =	sdelay $0x4  }
0x291: {  	v59 =	vshll.u32 v20, $0x1  }
0x292: {  	v20 =	vand.u32 $0x7, v20;
	v21 =	vand.u32 $0xFFFFFFF0, v59  }
0x293: {  	v20 =	vor.u32 v20, v21  }
0x294: {  	v21 =	vperm.xlane v20, v17;
	_ =	sdelay $0x1  }
0x295: {  	v20 =	vperm.xlane v20, v19;
	v21 =	vadd.s32 v18, v21;
	_ =	sdelay $0x1  }
0x296: {  	v20 =	vadd.s32 v18, v20;
	_ =	sdelay $0x2  }
0x297: {  	[tilespmem:s12], [sflag:$0x3] =	stream.indirect_vreg.gather [hbm4b:s6+s2], $0x80, v21, vm0, $0xb8;
	[tilespmem:$0x1EA00] =	vst v63  }
0x298: {  	_ = 	snop  }
0x299: {  	[tilespmem:s13], [sflag:$0x3] =	stream.indirect_vreg.gather [hbm4b:s6+s2], $0x80, v20, vm0, $0xb8;
	[tilespmem:$0x1EA00] =	vst v63  }
0x29a: {  	v20 =	vld [tilespmem:$0x4258];
	_ =	sdelay $0x4  }
0x29b: {  	v60 =	vshll.u32 v20, $0x1  }
0x29c: {  	v20 =	vand.u32 $0x7, v20;
	v21 =	vand.u32 $0xFFFFFFF0, v60  }
0x29d: {  	v20 =	vor.u32 v20, v21  }
0x29e: {  	v21 =	vperm.xlane v20, v17;
	_ =	sdelay $0x1  }
0x29f: {  	v20 =	vperm.xlane v20, v19;
	v21 =	vadd.s32 v18, v21;
	_ =	sdelay $0x1  }
0x2a0: {  	v20 =	vadd.s32 v18, v20;
	_ =	sdelay $0x2  }
0x2a1: {  	[tilespmem:s14], [sflag:$0x3] =	stream.indirect_vreg.gather [hbm4b:s6+s2], $0x80, v21, vm0, $0xb8;
	[tilespmem:$0x1EA00] =	vst v63  }
0x2a2: {  	_ = 	snop  }
0x2a3: {  	[tilespmem:s15], [sflag:$0x3] =	stream.indirect_vreg.gather [hbm4b:s6+s2], $0x80, v20, vm0, $0xb8;
	[tilespmem:$0x1EA00] =	vst v63  }
0x2a4: {  	v20 =	vld [tilespmem:$0x4268];
	_ =	sdelay $0x4  }
0x2a5: {  	v61 =	vshll.u32 v20, $0x1  }
0x2a6: {  	v20 =	vand.u32 $0x7, v20;
	v21 =	vand.u32 $0xFFFFFFF0, v61  }
0x2a7: {  	v20 =	vor.u32 v20, v21  }
0x2a8: {  	v21 =	vperm.xlane v20, v17;
	_ =	sdelay $0x1  }
0x2a9: {  	v20 =	vperm.xlane v20, v19;
	v21 =	vadd.s32 v18, v21;
	_ =	sdelay $0x1  }
0x2aa: {  	v20 =	vadd.s32 v18, v20;
	_ =	sdelay $0x2  }
0x2ab: {  	[tilespmem:s16], [sflag:$0x3] =	stream.indirect_vreg.gather [hbm4b:s6+s2], $0x80, v21, vm0, $0xb8;
	[tilespmem:$0x1EA00] =	vst v63  }
0x2ac: {  	_ = 	snop  }
0x2ad: {  	[tilespmem:s7], [sflag:$0x3] =	stream.indirect_vreg.gather [hbm4b:s6+s2], $0x80, v20, vm0, $0xb8;
	[tilespmem:$0x1EA00] =	vst v63  }
0x2ae: {  	v20 =	vld [tilespmem:$0x4278];
	_ =	sdelay $0x4  }
0x2af: {  	v62 =	vshll.u32 v20, $0x1  }
0x2b0: {  	v20 =	vand.u32 $0x7, v20;
	v21 =	vand.u32 $0xFFFFFFF0, v62  }
0x2b1: {  	v20 =	vor.u32 v20, v21  }
0x2b2: {  	v21 =	vperm.xlane v20, v17;
	_ =	sdelay $0x1  }
0x2b3: {  	v20 =	vperm.xlane v20, v19;
	v21 =	vadd.s32 v18, v21;
	_ =	sdelay $0x1  }
0x2b4: {  	v20 =	vadd.s32 v18, v20;
	_ =	sdelay $0x2  }
0x2b5: {  	[tilespmem:s23], [sflag:$0x3] =	stream.indirect_vreg.gather [hbm4b:s6+s2], $0x80, v21, vm0, $0xb8;
	[tilespmem:$0x1EA00] =	vst v63  }
0x2b6: {  	_ = 	snop  }
0x2b7: {  	[tilespmem:s22], [sflag:$0x3] =	stream.indirect_vreg.gather [hbm4b:s6+s2], $0x80, v20, vm0, $0xb8;
	[tilespmem:$0x1EA00] =	vst v63  }
0x2b8: {  	v20 =	vld.msk [tilespmem:$0x4288], $0xff;
	_ =	sdelay $0x4  }
0x2b9: {  	v63 =	vshll.u32 v20, $0x1  }
0x2ba: {  	v20 =	vand.u32 $0x7, v20;
	v21 =	vand.u32 $0xFFFFFFF0, v63  }
0x2bb: {  	v20 =	vor.u32 v20, v21  }
0x2bc: {  	v20 =	vperm.xlane v20, v17;
	_ =	sdelay $0x1  }
0x2bd: {  	v20 =	vadd.s32 v18, v20;
	_ =	sdelay $0x3  }
0x2be: {  	s0 =	simm.s32 $0x4418  }
0x2bf: {  	[tilespmem:s26], [sflag:$0x3] =	stream.indirect_vreg.gather [hbm4b:s6+s2], $0x80, v20, vm0, $0xb8;
	[tilespmem:$0x1EA00] =	vst v63  }
.LBB2_6:
0x2c0: {  	_ =	swait.ge [sflag:s28], $0xC800  }
0x2c1: {  	[sflag:s28] =	ssyncset.done $0x0  }
0x2c2: {  	s1 =	sadd.s32 s2, s17;
	[sflag:s28] =	ssyncadd.s32 $0xFFFF3800  }
0x2c3: {  	[hbm4b:s1+s3] =	stream.linear.scatter [tilespmem:s24], [sflag:$0x4], $0xC800, $0x38;
	[tilespmem:$0x1EA00] =	vst v63  }
0x2c4: {  	_ =	swait.ge [sflag:s29], $0xC800  }
0x2c5: {  	p0 =	seq.s32 s2, $0x2EE00;
	[sflag:s29] =	ssyncset.done $0x0  }
.Ltmp4:
0x2c6: {  	s1 =	sadd.s32 $0x1900, s1;
	[sflag:s29] =	ssyncadd.s32 $0xFFFF3800;
	(pc) =	sbr.rel @p0 .LBB2_8-.Ltmp4, $4  }
0x2c7: {  	[hbm4b:s1+s3] =	stream.linear.scatter [tilespmem:s25], [sflag:$0x5], $0xC800, $0x38;
	[tilespmem:$0x1EA00] =	vst v63  }
0x2c8: {  	_ =	swait.ge [sflag:s30], $0xC800  }
0x2c9: {  	[sflag:s30] =	ssyncset.done $0x0  }
0x2ca: {  	[sflag:s30] =	ssyncadd.s32 $0xFFFF3800  }
0x2cb: {  	v20 =	vld [tilespmem:s0+$0xFFFFFE78];
	_ =	sdelay $0x4  }
0x2cc: {  	v21 =	vshll.u32 v20, $0x1  }
0x2cd: {  	v20 =	vand.u32 $0x7, v20;
	v21 =	vand.u32 $0xFFFFFFF0, v21  }
0x2ce: {  	v20 =	vor.u32 v20, v21  }
0x2cf: {  	v21 =	vperm.xlane v20, v17;
	_ =	sdelay $0x1  }
0x2d0: {  	v20 =	vperm.xlane v20, v19;
	v21 =	vadd.s32 v18, v21;
	_ =	sdelay $0x1  }
0x2d1: {  	v20 =	vadd.s32 v18, v20;
	_ =	sdelay $0x2  }
0x2d2: {  	[tilespmem:s24], [sflag:$0x2] =	stream.indirect_vreg.gather [hbm4b:s6+s3], $0x80, v21, vm0, $0xb8;
	[tilespmem:$0x1EA00] =	vst v63  }
0x2d3: {  	_ = 	snop  }
0x2d4: {  	[tilespmem:s18], [sflag:$0x2] =	stream.indirect_vreg.gather [hbm4b:s6+s3], $0x80, v20, vm0, $0xb8;
	[tilespmem:$0x1EA00] =	vst v63  }
0x2d5: {  	v20 =	vld [tilespmem:s0+$0xFFFFFE88];
	_ =	sdelay $0x4  }
0x2d6: {  	v39 =	vshll.u32 v20, $0x1  }
0x2d7: {  	v20 =	vand.u32 $0x7, v20;
	v21 =	vand.u32 $0xFFFFFFF0, v39  }
0x2d8: {  	v20 =	vor.u32 v20, v21  }
0x2d9: {  	v21 =	vperm.xlane v20, v17;
	_ =	sdelay $0x1  }
0x2da: {  	v20 =	vperm.xlane v20, v19;
	v21 =	vadd.s32 v18, v21;
	_ =	sdelay $0x1  }
0x2db: {  	v20 =	vadd.s32 v18, v20;
	_ =	sdelay $0x2  }
0x2dc: {  	[tilespmem:s19], [sflag:$0x2] =	stream.indirect_vreg.gather [hbm4b:s6+s3], $0x80, v21, vm0, $0xb8;
	[tilespmem:$0x1EA00] =	vst v63  }
0x2dd: {  	s1 =	simm.s32 $0x7200  }
0x2de: {  	[tilespmem:s1], [sflag:$0x2] =	stream.indirect_vreg.gather [hbm4b:s6+s3], $0x80, v20, vm0, $0xb8;
	[tilespmem:$0x1EA00] =	vst v63  }
0x2df: {  	v20 =	vld [tilespmem:s0+$0xFFFFFE98];
	_ =	sdelay $0x4  }
0x2e0: {  	v40 =	vshll.u32 v20, $0x1  }
0x2e1: {  	v20 =	vand.u32 $0x7, v20;
	v21 =	vand.u32 $0xFFFFFFF0, v40  }
0x2e2: {  	v20 =	vor.u32 v20, v21  }
0x2e3: {  	v21 =	vperm.xlane v20, v17;
	_ =	sdelay $0x1  }
0x2e4: {  	v20 =	vperm.xlane v20, v19;
	v21 =	vadd.s32 v18, v21;
	_ =	sdelay $0x1  }
0x2e5: {  	v20 =	vadd.s32 v18, v20;
	_ =	sdelay $0x1  }
0x2e6: {  	s1 =	simm.s32 $0x7A00  }
0x2e7: {  	[tilespmem:s1], [sflag:$0x2] =	stream.indirect_vreg.gather [hbm4b:s6+s3], $0x80, v21, vm0, $0xb8;
	[tilespmem:$0x1EA00] =	vst v63  }
0x2e8: {  	s1 =	simm.s32 $0x8200  }
0x2e9: {  	[tilespmem:s1], [sflag:$0x2] =	stream.indirect_vreg.gather [hbm4b:s6+s3], $0x80, v20, vm0, $0xb8;
	[tilespmem:$0x1EA00] =	vst v63  }
0x2ea: {  	v20 =	vld [tilespmem:s0+$0xFFFFFEA8];
	_ =	sdelay $0x4  }
0x2eb: {  	v41 =	vshll.u32 v20, $0x1  }
0x2ec: {  	v20 =	vand.u32 $0x7, v20;
	v21 =	vand.u32 $0xFFFFFFF0, v41  }
0x2ed: {  	v20 =	vor.u32 v20, v21  }
0x2ee: {  	v21 =	vperm.xlane v20, v17;
	_ =	sdelay $0x1  }
0x2ef: {  	v20 =	vperm.xlane v20, v19;
	v21 =	vadd.s32 v18, v21;
	_ =	sdelay $0x1  }
0x2f0: {  	v20 =	vadd.s32 v18, v20;
	_ =	sdelay $0x1  }
0x2f1: {  	s1 =	simm.s32 $0x8A00  }
0x2f2: {  	[tilespmem:s1], [sflag:$0x2] =	stream.indirect_vreg.gather [hbm4b:s6+s3], $0x80, v21, vm0, $0xb8;
	[tilespmem:$0x1EA00] =	vst v63  }
0x2f3: {  	s1 =	simm.s32 $0x9200  }
0x2f4: {  	[tilespmem:s1], [sflag:$0x2] =	stream.indirect_vreg.gather [hbm4b:s6+s3], $0x80, v20, vm0, $0xb8;
	[tilespmem:$0x1EA00] =	vst v63  }
0x2f5: {  	v20 =	vld [tilespmem:s0+$0xFFFFFEB8];
	_ =	sdelay $0x4  }
0x2f6: {  	v42 =	vshll.u32 v20, $0x1  }
0x2f7: {  	v20 =	vand.u32 $0x7, v20;
	v21 =	vand.u32 $0xFFFFFFF0, v42  }
0x2f8: {  	v20 =	vor.u32 v20, v21  }
0x2f9: {  	v21 =	vperm.xlane v20, v17;
	_ =	sdelay $0x1  }
0x2fa: {  	v20 =	vperm.xlane v20, v19;
	v21 =	vadd.s32 v18, v21;
	_ =	sdelay $0x1  }
0x2fb: {  	v20 =	vadd.s32 v18, v20;
	_ =	sdelay $0x1  }
0x2fc: {  	s1 =	simm.s32 $0x9A00  }
0x2fd: {  	[tilespmem:s1], [sflag:$0x2] =	stream.indirect_vreg.gather [hbm4b:s6+s3], $0x80, v21, vm0, $0xb8;
	[tilespmem:$0x1EA00] =	vst v63  }
0x2fe: {  	s1 =	simm.s32 $0xA200  }
0x2ff: {  	[tilespmem:s1], [sflag:$0x2] =	stream.indirect_vreg.gather [hbm4b:s6+s3], $0x80, v20, vm0, $0xb8;
	[tilespmem:$0x1EA00] =	vst v63  }
0x300: {  	v20 =	vld [tilespmem:s0+$0xFFFFFEC8];
	_ =	sdelay $0x4  }
0x301: {  	v43 =	vshll.u32 v20, $0x1  }
0x302: {  	v20 =	vand.u32 $0x7, v20;
	v21 =	vand.u32 $0xFFFFFFF0, v43  }
0x303: {  	v20 =	vor.u32 v20, v21  }
0x304: {  	v21 =	vperm.xlane v20, v17;
	_ =	sdelay $0x1  }
0x305: {  	v20 =	vperm.xlane v20, v19;
	v21 =	vadd.s32 v18, v21;
	_ =	sdelay $0x1  }
0x306: {  	v20 =	vadd.s32 v18, v20;
	_ =	sdelay $0x1  }
0x307: {  	s1 =	simm.s32 $0xAA00  }
0x308: {  	[tilespmem:s1], [sflag:$0x2] =	stream.indirect_vreg.gather [hbm4b:s6+s3], $0x80, v21, vm0, $0xb8;
	[tilespmem:$0x1EA00] =	vst v63  }
0x309: {  	s1 =	simm.s32 $0xB200  }
0x30a: {  	[tilespmem:s1], [sflag:$0x2] =	stream.indirect_vreg.gather [hbm4b:s6+s3], $0x80, v20, vm0, $0xb8;
	[tilespmem:$0x1EA00] =	vst v63  }
0x30b: {  	v20 =	vld [tilespmem:s0+$0xFFFFFED8];
	_ =	sdelay $0x4  }
0x30c: {  	v44 =	vshll.u32 v20, $0x1  }
0x30d: {  	v20 =	vand.u32 $0x7, v20;
	v21 =	vand.u32 $0xFFFFFFF0, v44  }
0x30e: {  	v20 =	vor.u32 v20, v21  }
0x30f: {  	v21 =	vperm.xlane v20, v17;
	_ =	sdelay $0x1  }
0x310: {  	v20 =	vperm.xlane v20, v19;
	v21 =	vadd.s32 v18, v21;
	_ =	sdelay $0x1  }
0x311: {  	v20 =	vadd.s32 v18, v20;
	_ =	sdelay $0x1  }
0x312: {  	s1 =	simm.s32 $0xBA00  }
0x313: {  	[tilespmem:s1], [sflag:$0x2] =	stream.indirect_vreg.gather [hbm4b:s6+s3], $0x80, v21, vm0, $0xb8;
	[tilespmem:$0x1EA00] =	vst v63  }
0x314: {  	s1 =	simm.s32 $0xC200  }
0x315: {  	[tilespmem:s1], [sflag:$0x2] =	stream.indirect_vreg.gather [hbm4b:s6+s3], $0x80, v20, vm0, $0xb8;
	[tilespmem:$0x1EA00] =	vst v63  }
0x316: {  	v20 =	vld [tilespmem:s0+$0xFFFFFEE8];
	_ =	sdelay $0x4  }
0x317: {  	v45 =	vshll.u32 v20, $0x1  }
0x318: {  	v20 =	vand.u32 $0x7, v20;
	v21 =	vand.u32 $0xFFFFFFF0, v45  }
0x319: {  	v20 =	vor.u32 v20, v21  }
0x31a: {  	v21 =	vperm.xlane v20, v17;
	_ =	sdelay $0x1  }
0x31b: {  	v20 =	vperm.xlane v20, v19;
	v21 =	vadd.s32 v18, v21;
	_ =	sdelay $0x1  }
0x31c: {  	v20 =	vadd.s32 v18, v20;
	_ =	sdelay $0x1  }
0x31d: {  	s1 =	simm.s32 $0xCA00  }
0x31e: {  	[tilespmem:s1], [sflag:$0x2] =	stream.indirect_vreg.gather [hbm4b:s6+s3], $0x80, v21, vm0, $0xb8;
	[tilespmem:$0x1EA00] =	vst v63  }
0x31f: {  	s1 =	simm.s32 $0xD200  }
0x320: {  	[tilespmem:s1], [sflag:$0x2] =	stream.indirect_vreg.gather [hbm4b:s6+s3], $0x80, v20, vm0, $0xb8;
	[tilespmem:$0x1EA00] =	vst v63  }
0x321: {  	v20 =	vld [tilespmem:s0+$0xFFFFFEF8];
	_ =	sdelay $0x4  }
0x322: {  	v46 =	vshll.u32 v20, $0x1  }
0x323: {  	v20 =	vand.u32 $0x7, v20;
	v21 =	vand.u32 $0xFFFFFFF0, v46  }
0x324: {  	v20 =	vor.u32 v20, v21  }
0x325: {  	v21 =	vperm.xlane v20, v17;
	_ =	sdelay $0x1  }
0x326: {  	v20 =	vperm.xlane v20, v19;
	v21 =	vadd.s32 v18, v21;
	_ =	sdelay $0x1  }
0x327: {  	v20 =	vadd.s32 v18, v20;
	_ =	sdelay $0x1  }
0x328: {  	s1 =	simm.s32 $0xDA00  }
0x329: {  	[tilespmem:s1], [sflag:$0x2] =	stream.indirect_vreg.gather [hbm4b:s6+s3], $0x80, v21, vm0, $0xb8;
	[tilespmem:$0x1EA00] =	vst v63  }
0x32a: {  	s1 =	simm.s32 $0xE200  }
0x32b: {  	[tilespmem:s1], [sflag:$0x2] =	stream.indirect_vreg.gather [hbm4b:s6+s3], $0x80, v20, vm0, $0xb8;
	[tilespmem:$0x1EA00] =	vst v63  }
0x32c: {  	v20 =	vld [tilespmem:s0+$0xFFFFFF08];
	_ =	sdelay $0x4  }
0x32d: {  	v47 =	vshll.u32 v20, $0x1  }
0x32e: {  	v20 =	vand.u32 $0x7, v20;
	v21 =	vand.u32 $0xFFFFFFF0, v47  }
0x32f: {  	v20 =	vor.u32 v20, v21  }
0x330: {  	v21 =	vperm.xlane v20, v17;
	_ =	sdelay $0x1  }
0x331: {  	v20 =	vperm.xlane v20, v19;
	v21 =	vadd.s32 v18, v21;
	_ =	sdelay $0x1  }
0x332: {  	v20 =	vadd.s32 v18, v20;
	_ =	sdelay $0x1  }
0x333: {  	s1 =	simm.s32 $0xEA00  }
0x334: {  	[tilespmem:s1], [sflag:$0x2] =	stream.indirect_vreg.gather [hbm4b:s6+s3], $0x80, v21, vm0, $0xb8;
	[tilespmem:$0x1EA00] =	vst v63  }
0x335: {  	s1 =	simm.s32 $0xF200  }
0x336: {  	[tilespmem:s1], [sflag:$0x2] =	stream.indirect_vreg.gather [hbm4b:s6+s3], $0x80, v20, vm0, $0xb8;
	[tilespmem:$0x1EA00] =	vst v63  }
0x337: {  	v20 =	vld [tilespmem:s0+$0xFFFFFF18];
	_ =	sdelay $0x4  }
0x338: {  	v48 =	vshll.u32 v20, $0x1  }
0x339: {  	v20 =	vand.u32 $0x7, v20;
	v21 =	vand.u32 $0xFFFFFFF0, v48  }
0x33a: {  	v20 =	vor.u32 v20, v21  }
0x33b: {  	v21 =	vperm.xlane v20, v17;
	_ =	sdelay $0x1  }
0x33c: {  	v20 =	vperm.xlane v20, v19;
	v21 =	vadd.s32 v18, v21;
	_ =	sdelay $0x1  }
0x33d: {  	v20 =	vadd.s32 v18, v20;
	_ =	sdelay $0x1  }
0x33e: {  	s1 =	simm.s32 $0xFA00  }
0x33f: {  	[tilespmem:s1], [sflag:$0x2] =	stream.indirect_vreg.gather [hbm4b:s6+s3], $0x80, v21, vm0, $0xb8;
	[tilespmem:$0x1EA00] =	vst v63  }
0x340: {  	s1 =	simm.s32 $0x10200  }
0x341: {  	[tilespmem:s1], [sflag:$0x2] =	stream.indirect_vreg.gather [hbm4b:s6+s3], $0x80, v20, vm0, $0xb8;
	[tilespmem:$0x1EA00] =	vst v63  }
0x342: {  	v20 =	vld [tilespmem:s0+$0xFFFFFF28];
	_ =	sdelay $0x4  }
0x343: {  	v49 =	vshll.u32 v20, $0x1  }
0x344: {  	v20 =	vand.u32 $0x7, v20;
	v21 =	vand.u32 $0xFFFFFFF0, v49  }
0x345: {  	v20 =	vor.u32 v20, v21  }
0x346: {  	v21 =	vperm.xlane v20, v17;
	_ =	sdelay $0x1  }
0x347: {  	v20 =	vperm.xlane v20, v19;
	v21 =	vadd.s32 v18, v21;
	_ =	sdelay $0x1  }
0x348: {  	v20 =	vadd.s32 v18, v20;
	_ =	sdelay $0x1  }
0x349: {  	s1 =	simm.s32 $0x10A00  }
0x34a: {  	[tilespmem:s1], [sflag:$0x2] =	stream.indirect_vreg.gather [hbm4b:s6+s3], $0x80, v21, vm0, $0xb8;
	[tilespmem:$0x1EA00] =	vst v63  }
0x34b: {  	s1 =	simm.s32 $0x11200  }
0x34c: {  	[tilespmem:s1], [sflag:$0x2] =	stream.indirect_vreg.gather [hbm4b:s6+s3], $0x80, v20, vm0, $0xb8;
	[tilespmem:$0x1EA00] =	vst v63  }
0x34d: {  	v20 =	vld.msk [tilespmem:s0+$0xFFFFFF38], $0xff;
	_ =	sdelay $0x4  }
0x34e: {  	v50 =	vshll.u32 v20, $0x1  }
0x34f: {  	v20 =	vand.u32 $0x7, v20;
	v21 =	vand.u32 $0xFFFFFFF0, v50  }
0x350: {  	v20 =	vor.u32 v20, v21  }
0x351: {  	v20 =	vperm.xlane v20, v17;
	_ =	sdelay $0x1  }
0x352: {  	v20 =	vadd.s32 v18, v20;
	_ =	sdelay $0x3  }
0x353: {  	s1 =	simm.s32 $0x11A00  }
0x354: {  	[tilespmem:s1], [sflag:$0x2] =	stream.indirect_vreg.gather [hbm4b:s6+s3], $0x80, v20, vm0, $0xb8;
	[tilespmem:$0x1EA00] =	vst v63  }
0x355: {  	_ =	swait.ge [sflag:s31], $0xC800  }
0x356: {  	[sflag:s31] =	ssyncset.done $0x0  }
0x357: {  	[sflag:s31] =	ssyncadd.s32 $0xFFFF3800  }
0x358: {  	v20 =	vld [tilespmem:s0+$0xFFFFFF40];
	_ =	sdelay $0x4  }
0x359: {  	v51 =	vshll.u32 v20, $0x1  }
0x35a: {  	v20 =	vand.u32 $0x7, v20;
	v21 =	vand.u32 $0xFFFFFFF0, v51  }
0x35b: {  	v20 =	vor.u32 v20, v21  }
0x35c: {  	v21 =	vperm.xlane v20, v17;
	_ =	sdelay $0x1  }
0x35d: {  	v20 =	vperm.xlane v20, v19;
	v21 =	vadd.s32 v18, v21;
	_ =	sdelay $0x1  }
0x35e: {  	v20 =	vadd.s32 v18, v20;
	_ =	sdelay $0x2  }
0x35f: {  	[tilespmem:s25], [sflag:$0x3] =	stream.indirect_vreg.gather [hbm4b:s6+s3], $0x80, v21, vm0, $0xb8;
	[tilespmem:$0x1EA00] =	vst v63  }
0x360: {  	s1 =	simm.s32 $0x12A00  }
0x361: {  	[tilespmem:s1], [sflag:$0x3] =	stream.indirect_vreg.gather [hbm4b:s6+s3], $0x80, v20, vm0, $0xb8;
	[tilespmem:$0x1EA00] =	vst v63  }
0x362: {  	v20 =	vld [tilespmem:s0+$0xFFFFFF50];
	_ =	sdelay $0x4  }
0x363: {  	v52 =	vshll.u32 v20, $0x1  }
0x364: {  	v20 =	vand.u32 $0x7, v20;
	v21 =	vand.u32 $0xFFFFFFF0, v52  }
0x365: {  	v20 =	vor.u32 v20, v21  }
0x366: {  	v21 =	vperm.xlane v20, v17;
	_ =	sdelay $0x1  }
0x367: {  	v20 =	vperm.xlane v20, v19;
	v21 =	vadd.s32 v18, v21;
	_ =	sdelay $0x1  }
0x368: {  	v20 =	vadd.s32 v18, v20;
	_ =	sdelay $0x1  }
0x369: {  	s1 =	simm.s32 $0x13200  }
0x36a: {  	[tilespmem:s1], [sflag:$0x3] =	stream.indirect_vreg.gather [hbm4b:s6+s3], $0x80, v21, vm0, $0xb8;
	[tilespmem:$0x1EA00] =	vst v63  }
0x36b: {  	s1 =	simm.s32 $0x13A00  }
0x36c: {  	[tilespmem:s1], [sflag:$0x3] =	stream.indirect_vreg.gather [hbm4b:s6+s3], $0x80, v20, vm0, $0xb8;
	[tilespmem:$0x1EA00] =	vst v63  }
0x36d: {  	v20 =	vld [tilespmem:s0+$0xFFFFFF60];
	_ =	sdelay $0x4  }
0x36e: {  	v53 =	vshll.u32 v20, $0x1  }
0x36f: {  	v20 =	vand.u32 $0x7, v20;
	v21 =	vand.u32 $0xFFFFFFF0, v53  }
0x370: {  	v20 =	vor.u32 v20, v21  }
0x371: {  	v21 =	vperm.xlane v20, v17;
	_ =	sdelay $0x1  }
0x372: {  	v20 =	vperm.xlane v20, v19;
	v21 =	vadd.s32 v18, v21;
	_ =	sdelay $0x1  }
0x373: {  	v20 =	vadd.s32 v18, v20;
	_ =	sdelay $0x1  }
0x374: {  	s1 =	simm.s32 $0x14200  }
0x375: {  	[tilespmem:s1], [sflag:$0x3] =	stream.indirect_vreg.gather [hbm4b:s6+s3], $0x80, v21, vm0, $0xb8;
	[tilespmem:$0x1EA00] =	vst v63  }
0x376: {  	s1 =	simm.s32 $0x14A00  }
0x377: {  	[tilespmem:s1], [sflag:$0x3] =	stream.indirect_vreg.gather [hbm4b:s6+s3], $0x80, v20, vm0, $0xb8;
	[tilespmem:$0x1EA00] =	vst v63  }
0x378: {  	v20 =	vld [tilespmem:s0+$0xFFFFFF70];
	_ =	sdelay $0x4  }
0x379: {  	v54 =	vshll.u32 v20, $0x1  }
0x37a: {  	v20 =	vand.u32 $0x7, v20;
	v21 =	vand.u32 $0xFFFFFFF0, v54  }
0x37b: {  	v20 =	vor.u32 v20, v21  }
0x37c: {  	v21 =	vperm.xlane v20, v17;
	_ =	sdelay $0x1  }
0x37d: {  	v20 =	vperm.xlane v20, v19;
	v21 =	vadd.s32 v18, v21;
	_ =	sdelay $0x1  }
0x37e: {  	v20 =	vadd.s32 v18, v20;
	_ =	sdelay $0x1  }
0x37f: {  	s1 =	simm.s32 $0x15200  }
0x380: {  	[tilespmem:s1], [sflag:$0x3] =	stream.indirect_vreg.gather [hbm4b:s6+s3], $0x80, v21, vm0, $0xb8;
	[tilespmem:$0x1EA00] =	vst v63  }
0x381: {  	s1 =	simm.s32 $0x15A00  }
0x382: {  	[tilespmem:s1], [sflag:$0x3] =	stream.indirect_vreg.gather [hbm4b:s6+s3], $0x80, v20, vm0, $0xb8;
	[tilespmem:$0x1EA00] =	vst v63  }
0x383: {  	v20 =	vld [tilespmem:s0+$0xFFFFFF80];
	_ =	sdelay $0x4  }
0x384: {  	v55 =	vshll.u32 v20, $0x1  }
0x385: {  	v20 =	vand.u32 $0x7, v20;
	v21 =	vand.u32 $0xFFFFFFF0, v55  }
0x386: {  	v20 =	vor.u32 v20, v21  }
0x387: {  	v21 =	vperm.xlane v20, v17;
	_ =	sdelay $0x1  }
0x388: {  	v20 =	vperm.xlane v20, v19;
	v21 =	vadd.s32 v18, v21;
	_ =	sdelay $0x1  }
0x389: {  	v20 =	vadd.s32 v18, v20;
	_ =	sdelay $0x1  }
0x38a: {  	s1 =	simm.s32 $0x16200  }
0x38b: {  	[tilespmem:s1], [sflag:$0x3] =	stream.indirect_vreg.gather [hbm4b:s6+s3], $0x80, v21, vm0, $0xb8;
	[tilespmem:$0x1EA00] =	vst v63  }
0x38c: {  	s1 =	simm.s32 $0x16A00  }
0x38d: {  	[tilespmem:s1], [sflag:$0x3] =	stream.indirect_vreg.gather [hbm4b:s6+s3], $0x80, v20, vm0, $0xb8;
	[tilespmem:$0x1EA00] =	vst v63  }
0x38e: {  	v20 =	vld [tilespmem:s0+$0xFFFFFF90];
	_ =	sdelay $0x4  }
0x38f: {  	v56 =	vshll.u32 v20, $0x1  }
0x390: {  	v20 =	vand.u32 $0x7, v20;
	v21 =	vand.u32 $0xFFFFFFF0, v56  }
0x391: {  	v20 =	vor.u32 v20, v21  }
0x392: {  	v21 =	vperm.xlane v20, v17;
	_ =	sdelay $0x1  }
0x393: {  	v20 =	vperm.xlane v20, v19;
	v21 =	vadd.s32 v18, v21;
	_ =	sdelay $0x1  }
0x394: {  	v20 =	vadd.s32 v18, v20;
	_ =	sdelay $0x1  }
0x395: {  	s1 =	simm.s32 $0x17200  }
0x396: {  	[tilespmem:s1], [sflag:$0x3] =	stream.indirect_vreg.gather [hbm4b:s6+s3], $0x80, v21, vm0, $0xb8;
	[tilespmem:$0x1EA00] =	vst v63  }
0x397: {  	_ = 	snop  }
0x398: {  	[tilespmem:s5], [sflag:$0x3] =	stream.indirect_vreg.gather [hbm4b:s6+s3], $0x80, v20, vm0, $0xb8;
	[tilespmem:$0x1EA00] =	vst v63  }
0x399: {  	v20 =	vld [tilespmem:s0+$0xFFFFFFA0];
	_ =	sdelay $0x4  }
0x39a: {  	v57 =	vshll.u32 v20, $0x1  }
0x39b: {  	v20 =	vand.u32 $0x7, v20;
	v21 =	vand.u32 $0xFFFFFFF0, v57  }
0x39c: {  	v20 =	vor.u32 v20, v21  }
0x39d: {  	v21 =	vperm.xlane v20, v17;
	_ =	sdelay $0x1  }
0x39e: {  	v20 =	vperm.xlane v20, v19;
	v21 =	vadd.s32 v18, v21;
	_ =	sdelay $0x1  }
0x39f: {  	v20 =	vadd.s32 v18, v20;
	_ =	sdelay $0x2  }
0x3a0: {  	[tilespmem:s8], [sflag:$0x3] =	stream.indirect_vreg.gather [hbm4b:s6+s3], $0x80, v21, vm0, $0xb8;
	[tilespmem:$0x1EA00] =	vst v63  }
0x3a1: {  	_ = 	snop  }
0x3a2: {  	[tilespmem:s9], [sflag:$0x3] =	stream.indirect_vreg.gather [hbm4b:s6+s3], $0x80, v20, vm0, $0xb8;
	[tilespmem:$0x1EA00] =	vst v63  }
0x3a3: {  	v20 =	vld [tilespmem:s0+$0xFFFFFFB0];
	_ =	sdelay $0x4  }
0x3a4: {  	v58 =	vshll.u32 v20, $0x1  }
0x3a5: {  	v20 =	vand.u32 $0x7, v20;
	v21 =	vand.u32 $0xFFFFFFF0, v58  }
0x3a6: {  	v20 =	vor.u32 v20, v21  }
0x3a7: {  	v21 =	vperm.xlane v20, v17;
	_ =	sdelay $0x1  }
0x3a8: {  	v20 =	vperm.xlane v20, v19;
	v21 =	vadd.s32 v18, v21;
	_ =	sdelay $0x1  }
0x3a9: {  	v20 =	vadd.s32 v18, v20;
	_ =	sdelay $0x2  }
0x3aa: {  	[tilespmem:s10], [sflag:$0x3] =	stream.indirect_vreg.gather [hbm4b:s6+s3], $0x80, v21, vm0, $0xb8;
	[tilespmem:$0x1EA00] =	vst v63  }
0x3ab: {  	_ = 	snop  }
0x3ac: {  	[tilespmem:s11], [sflag:$0x3] =	stream.indirect_vreg.gather [hbm4b:s6+s3], $0x80, v20, vm0, $0xb8;
	[tilespmem:$0x1EA00] =	vst v63  }
0x3ad: {  	v20 =	vld [tilespmem:s0+$0xFFFFFFC0];
	_ =	sdelay $0x4  }
0x3ae: {  	v59 =	vshll.u32 v20, $0x1  }
0x3af: {  	v20 =	vand.u32 $0x7, v20;
	v21 =	vand.u32 $0xFFFFFFF0, v59  }
0x3b0: {  	v20 =	vor.u32 v20, v21  }
0x3b1: {  	v21 =	vperm.xlane v20, v17;
	_ =	sdelay $0x1  }
0x3b2: {  	v20 =	vperm.xlane v20, v19;
	v21 =	vadd.s32 v18, v21;
	_ =	sdelay $0x1  }
0x3b3: {  	v20 =	vadd.s32 v18, v20;
	_ =	sdelay $0x2  }
0x3b4: {  	[tilespmem:s12], [sflag:$0x3] =	stream.indirect_vreg.gather [hbm4b:s6+s3], $0x80, v21, vm0, $0xb8;
	[tilespmem:$0x1EA00] =	vst v63  }
0x3b5: {  	_ = 	snop  }
0x3b6: {  	[tilespmem:s13], [sflag:$0x3] =	stream.indirect_vreg.gather [hbm4b:s6+s3], $0x80, v20, vm0, $0xb8;
	[tilespmem:$0x1EA00] =	vst v63  }
0x3b7: {  	v20 =	vld [tilespmem:s0+$0xFFFFFFD0];
	_ =	sdelay $0x4  }
0x3b8: {  	v60 =	vshll.u32 v20, $0x1  }
0x3b9: {  	v20 =	vand.u32 $0x7, v20;
	v21 =	vand.u32 $0xFFFFFFF0, v60  }
0x3ba: {  	v20 =	vor.u32 v20, v21  }
0x3bb: {  	v21 =	vperm.xlane v20, v17;
	_ =	sdelay $0x1  }
0x3bc: {  	v20 =	vperm.xlane v20, v19;
	v21 =	vadd.s32 v18, v21;
	_ =	sdelay $0x1  }
0x3bd: {  	v20 =	vadd.s32 v18, v20;
	_ =	sdelay $0x2  }
0x3be: {  	[tilespmem:s14], [sflag:$0x3] =	stream.indirect_vreg.gather [hbm4b:s6+s3], $0x80, v21, vm0, $0xb8;
	[tilespmem:$0x1EA00] =	vst v63  }
0x3bf: {  	_ = 	snop  }
0x3c0: {  	[tilespmem:s15], [sflag:$0x3] =	stream.indirect_vreg.gather [hbm4b:s6+s3], $0x80, v20, vm0, $0xb8;
	[tilespmem:$0x1EA00] =	vst v63  }
0x3c1: {  	v20 =	vld [tilespmem:s0+$0xFFFFFFE0];
	_ =	sdelay $0x4  }
0x3c2: {  	v61 =	vshll.u32 v20, $0x1  }
0x3c3: {  	v20 =	vand.u32 $0x7, v20;
	v21 =	vand.u32 $0xFFFFFFF0, v61  }
0x3c4: {  	v20 =	vor.u32 v20, v21  }
0x3c5: {  	v21 =	vperm.xlane v20, v17;
	_ =	sdelay $0x1  }
0x3c6: {  	v20 =	vperm.xlane v20, v19;
	v21 =	vadd.s32 v18, v21;
	_ =	sdelay $0x1  }
0x3c7: {  	v20 =	vadd.s32 v18, v20;
	_ =	sdelay $0x2  }
0x3c8: {  	[tilespmem:s16], [sflag:$0x3] =	stream.indirect_vreg.gather [hbm4b:s6+s3], $0x80, v21, vm0, $0xb8;
	[tilespmem:$0x1EA00] =	vst v63  }
0x3c9: {  	_ = 	snop  }
0x3ca: {  	[tilespmem:s7], [sflag:$0x3] =	stream.indirect_vreg.gather [hbm4b:s6+s3], $0x80, v20, vm0, $0xb8;
	[tilespmem:$0x1EA00] =	vst v63  }
0x3cb: {  	v20 =	vld [tilespmem:s0+$0xFFFFFFF0];
	_ =	sdelay $0x4  }
0x3cc: {  	v62 =	vshll.u32 v20, $0x1  }
0x3cd: {  	v20 =	vand.u32 $0x7, v20;
	v21 =	vand.u32 $0xFFFFFFF0, v62  }
0x3ce: {  	v20 =	vor.u32 v20, v21  }
0x3cf: {  	v21 =	vperm.xlane v20, v17;
	_ =	sdelay $0x1  }
0x3d0: {  	v20 =	vperm.xlane v20, v19;
	v21 =	vadd.s32 v18, v21;
	_ =	sdelay $0x1  }
0x3d1: {  	v20 =	vadd.s32 v18, v20;
	_ =	sdelay $0x2  }
0x3d2: {  	[tilespmem:s23], [sflag:$0x3] =	stream.indirect_vreg.gather [hbm4b:s6+s3], $0x80, v21, vm0, $0xb8;
	[tilespmem:$0x1EA00] =	vst v63  }
0x3d3: {  	_ = 	snop  }
0x3d4: {  	[tilespmem:s22], [sflag:$0x3] =	stream.indirect_vreg.gather [hbm4b:s6+s3], $0x80, v20, vm0, $0xb8;
	[tilespmem:$0x1EA00] =	vst v63  }
0x3d5: {  	v20 =	vld.msk [tilespmem:s0+$0x0], $0xff;
	_ =	sdelay $0x4  }
0x3d6: {  	v63 =	vshll.u32 v20, $0x1  }
0x3d7: {  	v20 =	vand.u32 $0x7, v20;
	v21 =	vand.u32 $0xFFFFFFF0, v63  }
0x3d8: {  	v20 =	vor.u32 v20, v21  }
0x3d9: {  	v20 =	vperm.xlane v20, v17;
	_ =	sdelay $0x1  }
0x3da: {  	v20 =	vadd.s32 v18, v20  }
.Ltmp5:
0x3db: {  	_ = 	snop;
	(pc) =	sbr.rel .LBB2_6-.Ltmp5, $3  }
0x3dc: {  	_ =	sdelay $0x1  }
0x3dd: {  	s2 =	sadd.s32 $0x3200, s2;
	s0 =	sadd.s32 $0x190, s0  }
0x3de: {  	[tilespmem:s26], [sflag:$0x3] =	stream.indirect_vreg.gather [hbm4b:s6+s3], $0x80, v20, vm0, $0xb8;
	[tilespmem:$0x1EA00] =	vst v63  }
.LBB2_9:
0x3df: {  	_ =	sfence.sel $0x180000  }
0x3e0: {  	[bflag:$0x0] =	sbarrier.arrive $0xFFFF  }
0x3e1: {  	_ =	strace $0x90000047  }
0x3e2: {  	s0 =	stileid.u32;
	[bflag:$0x2] =	sbarrier.arrive $0xFFFF  }
0x3e3: {  	p0 =	sne.s32 s0, $0x0;
	s0 =	rddreg [dreg:$0x3]  }
0x3e4: {  	s0 =	sadd.s32 @!p0 $0x100000, s0  }
0x3e5: {  	[sflag:s0] =	ssyncadd.tile.s32 @!p0 $0x1;
	_ =	shalt  }
.Lfunc_end2:
_tile_overlayer_lowered:
.L_overlay_start_2:
0x3e6: {  	(tag) =	ssettag $0x2  }
0x3e7: {  	s0 =	rddreg [dreg:$0x0];
	s2 =	stileid.u32  }
0x3e8: {  	s1 =	rddreg [dreg:$0x1];
	p0 =	sne.s32 s2, $0x0  }
0x3e9: {  	s3 =	rddreg [dreg:$0x2];
	[bflag:$0x3] =	sbarrier.arrive $0xFFFF;
	s2 =	simm.s32 @!p0 $0x1C06  }
0x3ea: {  	[timem:s3], [sflag:s2] =	dma.local @!p0 [hbm:s0], s1  }
0x3eb: {  	s0 =	simm.s32 @!p0 $0x6  }
0x3ec: {  	_ =	swait.ge @!p0 [sflag:s0], s1  }
0x3ed: {  	s1 =	ssub.s32 @!p0 $0x0, s1;
	[sflag:s0] =	ssyncset.done @!p0 $0x0  }
0x3ee: {  	[sflag:s0] =	ssyncadd.s32 @!p0 s1  }
0x3ef: {  	[bflag:$0x3] =	sbarrier.arrive $0xFFFF  }
0x3f0: {  	_ =	shalt  }

</sc_bundles>
